<compile_context>
chip_gen: v7x
topology: tpu7x:2x2x1
jax: 0.10.2.dev20260603
libtpu: 0.0.44.dev20260713+nightly
codegen_flags: <defaults>
</compile_context>

<pallas_src>
import functools

import jax
import jax.numpy as jnp
from jax import lax
from jax.experimental import pallas as pl
from jax.experimental.pallas import tpu as pltpu
from jax.experimental.pallas import tpu_sc as plsc

VOCAB = 100000
EMB = 128
CTX = 200

_ROWS_PER_WORKER = 8
_NUM_ACTIVE = CTX // _ROWS_PER_WORKER

BV = 12544
NB = -(-VOCAB // BV)
NB2 = NB // 2
VPAD = NB * BV

_NEG = -1e30


def _sc_gather_kernel(idx_hbm, table_hbm, out_hbm, idx_v, rows_v, acc_v, sem):
    nc = plsc.get_sparse_core_info().num_cores
    wid = lax.axis_index("s") * nc + lax.axis_index("c")

    @pl.when(wid < _NUM_ACTIVE)
    def _gather():
        pltpu.sync_copy(idx_hbm.at[pl.ds(wid * _ROWS_PER_WORKER, _ROWS_PER_WORKER)], idx_v)
        pltpu.async_copy(table_hbm.at[idx_v], rows_v, sem).wait()
        for c in range(EMB // 16):
            acc = rows_v[0, pl.ds(c * 16, 16)]
            for r in range(1, _ROWS_PER_WORKER):
                acc = acc + rows_v[r, pl.ds(c * 16, 16)]
            acc_v[pl.ds(c * 16, 16)] = acc

    @pl.when(wid >= _NUM_ACTIVE)
    def _zero():
        for c in range(EMB // 16):
            acc_v[pl.ds(c * 16, 16)] = jnp.zeros((16,), jnp.float32)

    pltpu.sync_copy(acc_v, out_hbm.at[wid])


def _sc_gather(context_idxs, emb_table):
    mesh = plsc.VectorSubcoreMesh(core_axis_name="c", subcore_axis_name="s")
    kern = functools.partial(
        pl.kernel,
        mesh=mesh,
        out_type=jax.ShapeDtypeStruct((32, EMB), jnp.float32),
        scratch_types=[
            pltpu.VMEM((_ROWS_PER_WORKER,), jnp.int32),
            pltpu.VMEM((_ROWS_PER_WORKER, EMB), jnp.float32),
            pltpu.VMEM((EMB,), jnp.float32),
            pltpu.SemaphoreType.DMA,
        ],
    )(_sc_gather_kernel)
    return kern(context_idxs, emb_table)


def _tc_kernel(part_ref, wa_ref, wb_ref, ba_ref, bb_ref, out_ref, m_ref):
    i = pl.program_id(0)

    v = jnp.sum(part_ref[...], axis=0, keepdims=True) * (1.0 / CTX)
    vb = v.astype(jnp.bfloat16)

    prev = jnp.where(i == 0, _NEG, m_ref[0])
    for blk, w_ref, b_ref in ((i, wa_ref, ba_ref), (NB2 + i, wb_ref, bb_ref)):
        logits = lax.dot_general(
            vb, w_ref[...].astype(jnp.bfloat16),
            (((1,), (1,)), ((), ())),
            preferred_element_type=jnp.float32,
        ) + b_ref[...]
        col = blk * BV + lax.broadcasted_iota(jnp.int32, (1, BV), 1)
        logits = jnp.where(col < VOCAB, logits, _NEG)
        out_ref[0, pl.ds(blk * BV, BV)] = logits[0, :]
        prev = jnp.maximum(prev, jnp.max(logits))
    m_ref[0] = prev

    @pl.when(i == NB2 - 1)
    def _finalize():
        m = m_ref[0]
        x = out_ref[...]
        s = jnp.sum(jnp.exp(x - m))
        out_ref[...] = x - m - jnp.log(jnp.full((1, VPAD), s, jnp.float32))


def _tc_logsoftmax(partials, W, b2d):
    return pl.pallas_call(
        _tc_kernel,
        grid=(NB2,),
        in_specs=[
            pl.BlockSpec((32, EMB), lambda i: (0, 0)),
            pl.BlockSpec((BV, EMB), lambda i: (i, 0)),
            pl.BlockSpec((BV, EMB), lambda i: (NB2 + i, 0)),
            pl.BlockSpec((1, BV), lambda i: (0, i)),
            pl.BlockSpec((1, BV), lambda i: (0, NB2 + i)),
        ],
        out_specs=pl.BlockSpec((1, VPAD), lambda i: (0, 0)),
        out_shape=jax.ShapeDtypeStruct((1, VOCAB), jnp.float32),
        scratch_shapes=[
            pltpu.SMEM((1,), jnp.float32),
        ],
    )(partials, W, W, b2d, b2d)


def kernel(context_idxs, emb_table, W, b):
    idx = context_idxs.astype(jnp.int32)
    partials = _sc_gather(idx, emb_table)
    return _tc_logsoftmax(partials, W, b.reshape(1, VOCAB))

# --- scband reference (transcript-rebuilt; emitter-appended) ---
"""Pipeline reference for scband-cbowmodel-2911987827147 (READ-ONLY COPY).

The authoritative reference and input builder live on the scoring server;
editing this copy changes nothing except your own understanding.
"""

import jax, jax.numpy as jnp
import numpy as np

VOCAB = 100000
EMB = 128
CTX = 200

def setup_inputs(seed: int = 0) -> dict:
    key = jax.random.key(seed)
    k1, k2, k3, k4 = jax.random.split(key, 4)
    context_idxs = jax.random.randint(k1, (CTX,), 0, VOCAB, dtype=jnp.int64 if jax.config.read('jax_enable_x64') else jnp.int32)
    emb_table = jax.random.normal(k2, (VOCAB, EMB), dtype=jnp.float32) * 0.02
    W = jax.random.normal(k3, (VOCAB, EMB), dtype=jnp.float32) * 0.02
    b = jax.random.normal(k4, (VOCAB,), dtype=jnp.float32) * 0.02
    return {"context_idxs": context_idxs, "emb_table": emb_table, "W": W, "b": b}

def reference(context_idxs, emb_table, W, b):
    # nn.Embedding lookup
    embeds = jnp.take(emb_table, context_idxs, axis=0)  # [CTX, EMB]
    # torch.mean(embeds, dim=0).view((1, -1))
    context_vec = jnp.mean(embeds, axis=0).reshape((1, -1))  # [1, EMB]
    # nn.Linear(embedding_dim, vocab_size): y = x @ W.T + b
    out = context_vec @ W.T + b  # [1, VOCAB]
    log_probs = jax.nn.log_softmax(out, axis=1)
    return log_probs

if __name__ == "__main__":
    import jax
    _d = setup_inputs()
    print(jax.jit(kernel)(*tuple(_d.values())))

</pallas_src>

<mosaic_0001>
#map = affine_map<(d0, d1) -> (0)>
#map1 = affine_map<(d0, d1) -> (0, 0)>
module attributes {stable_mosaic.version = 14 : i64} {
  func.func @_sc_gather_kernel(%arg0: i32, %arg1: i32, %arg2: memref<200xi32, #tpu.memory_space<hbm>>, %arg3: memref<100000x128xf32, #tpu.memory_space<hbm>>, %arg4: memref<32x128xf32, #tpu.memory_space<hbm>>, %arg5: memref<8xi32, #tpu.memory_space<vmem>>, %arg6: memref<8x128xf32, #tpu.memory_space<vmem>>, %arg7: memref<128xf32, #tpu.memory_space<vmem>>, %arg8: memref<!tpu.dma_semaphore, #tpu.memory_space<semaphore_mem>>) attributes {dimension_semantics = [#tpu.dimension_semantics<core_parallel>, #tpu.dimension_semantics<subcore_parallel>], iteration_bounds = array<i64: 2, 16>, scalar_prefetch = 0 : i64, scratch_operands = 4 : i64, tpu.core_type = #tpu.core_type<sc_vector_subcore>, window_params = [{transform_indices = #map}, {transform_indices = #map1}, {transform_indices = #map1}]} {
    %mul3A = arith.constant 2 : i32
    %mul3A_0 = arith.muli %arg1, %mul3A : i32
    %add3A = arith.addi %mul3A_0, %arg0 : i32
    %lt3A = arith.constant 25 : i32
    %lt3A_1 = arith.cmpi slt, %add3A, %lt3A : i32
    %convert_element_type3A = arith.extui %lt3A_1 : i1 to i32
    %cond3A = arith.constant 0 : i32
    %cond3A_2 = arith.cmpi ne, %convert_element_type3A, %cond3A : i32
    scf.if %cond3A_2 {
      %mul3A_7 = arith.constant 8 : i32
      %mul3A_8 = arith.muli %add3A, %mul3A_7 : i32
      "tpu.region"() ({
        %run_scoped3A = tpu.sem_alloc : memref<!tpu.dma_semaphore, #tpu.memory_space<semaphore_mem>>
        %dma_start3A_419 = tpu.memref_slice %arg2[%mul3A_8] : memref<200xi32, #tpu.memory_space<hbm>> -> memref<8xi32, #tpu.memory_space<hbm>>
        %dma_start3A_420 = tpu.memref_slice %arg2[%mul3A_8] : memref<200xi32, #tpu.memory_space<hbm>> -> memref<8xi32, #tpu.memory_space<hbm>>
        tpu.enqueue_dma source(%dma_start3A_420 : memref<8xi32, #tpu.memory_space<hbm>>) target(%arg5 : memref<8xi32, #tpu.memory_space<vmem>>) target_semaphore(%run_scoped3A : memref<!tpu.dma_semaphore, #tpu.memory_space<semaphore_mem>>)
        %dma_wait3A_421 = tpu.memref_slice %arg2[%mul3A_8] : memref<200xi32, #tpu.memory_space<hbm>> -> memref<8xi32, #tpu.memory_space<hbm>>
        %dma_wait3A_422 = tpu.memref_slice %arg2[%mul3A_8] : memref<200xi32, #tpu.memory_space<hbm>> -> memref<8xi32, #tpu.memory_space<hbm>>
        tpu.wait_dma2 semaphore(%run_scoped3A : memref<!tpu.dma_semaphore, #tpu.memory_space<semaphore_mem>>) src(%dma_wait3A_422 : memref<8xi32, #tpu.memory_space<hbm>>) dst(%arg5 : memref<8xi32, #tpu.memory_space<vmem>>)
        tpu.yield
      }) : () -> ()
      %dma_start3A = arith.constant 0 : i32
      %dma_start3A_9 = arith.constant 0 : i32
      %dma_start3A_10 = tpu.memref_slice %arg3[%dma_start3A, %dma_start3A_9] : memref<100000x128xf32, #tpu.memory_space<hbm>> -> memref<100000x128xf32, #tpu.memory_space<hbm>>
      tpu.enqueue_indirect_dma source(%dma_start3A_10 : memref<100000x128xf32, #tpu.memory_space<hbm>>) target(%arg6 : memref<8x128xf32, #tpu.memory_space<vmem>>) offsets(%arg5 : memref<8xi32, #tpu.memory_space<vmem>>) semaphore(%arg8 : memref<!tpu.dma_semaphore, #tpu.memory_space<semaphore_mem>>)
      %dma_wait3A = arith.constant 0 : i32
      %dma_wait3A_11 = arith.constant 0 : i32
      %dma_wait3A_12 = tpu.memref_slice %arg3[%dma_wait3A, %dma_wait3A_11] : memref<100000x128xf32, #tpu.memory_space<hbm>> -> memref<100000x128xf32, #tpu.memory_space<hbm>>
      tpu.wait_indirect_dma semaphore(%arg8 : memref<!tpu.dma_semaphore, #tpu.memory_space<semaphore_mem>>) src(%dma_wait3A_12 : memref<100000x128xf32, #tpu.memory_space<hbm>>) dst(%arg6 : memref<8x128xf32, #tpu.memory_space<vmem>>)
      %get3A = arith.constant 0 : i32
      %get3A_13 = arith.index_cast %get3A : i32 to index
      %get3A_14 = arith.constant 0 : index
      %get3A_15 = tpu.vector_load %arg6[%get3A_13, %get3A_14] {strides = array<i32>} : memref<8x128xf32, #tpu.memory_space<vmem>>, vector<1x16xf32>,
      %get3A_16 = vector.shape_cast %get3A_15 : vector<1x16xf32> to vector<16xf32>
      %get3A_17 = arith.constant 1 : i32
      %get3A_18 = arith.index_cast %get3A_17 : i32 to index
      %get3A_19 = arith.constant 0 : index
      %get3A_20 = tpu.vector_load %arg6[%get3A_18, %get3A_19] {strides = array<i32>} : memref<8x128xf32, #tpu.memory_space<vmem>>, vector<1x16xf32>,
      %get3A_21 = vector.shape_cast %get3A_20 : vector<1x16xf32> to vector<16xf32>
      %add3A_22 = arith.addf %get3A_16, %get3A_21 : vector<16xf32>
      %get3A_23 = arith.constant 2 : i32
      %get3A_24 = arith.index_cast %get3A_23 : i32 to index
      %get3A_25 = arith.constant 0 : index
      %get3A_26 = tpu.vector_load %arg6[%get3A_24, %get3A_25] {strides = array<i32>} : memref<8x128xf32, #tpu.memory_space<vmem>>, vector<1x16xf32>,
      %get3A_27 = vector.shape_cast %get3A_26 : vector<1x16xf32> to vector<16xf32>
      %add3A_28 = arith.addf %add3A_22, %get3A_27 : vector<16xf32>
      %get3A_29 = arith.constant 3 : i32
      %get3A_30 = arith.index_cast %get3A_29 : i32 to index
      %get3A_31 = arith.constant 0 : index
      %get3A_32 = tpu.vector_load %arg6[%get3A_30, %get3A_31] {strides = array<i32>} : memref<8x128xf32, #tpu.memory_space<vmem>>, vector<1x16xf32>,
      %get3A_33 = vector.shape_cast %get3A_32 : vector<1x16xf32> to vector<16xf32>
      %add3A_34 = arith.addf %add3A_28, %get3A_33 : vector<16xf32>
      %get3A_35 = arith.constant 4 : i32
      %get3A_36 = arith.index_cast %get3A_35 : i32 to index
      %get3A_37 = arith.constant 0 : index
      %get3A_38 = tpu.vector_load %arg6[%get3A_36, %get3A_37] {strides = array<i32>} : memref<8x128xf32, #tpu.memory_space<vmem>>, vector<1x16xf32>,
      %get3A_39 = vector.shape_cast %get3A_38 : vector<1x16xf32> to vector<16xf32>
      %add3A_40 = arith.addf %add3A_34, %get3A_39 : vector<16xf32>
      %get3A_41 = arith.constant 5 : i32
      %get3A_42 = arith.index_cast %get3A_41 : i32 to index
      %get3A_43 = arith.constant 0 : index
      %get3A_44 = tpu.vector_load %arg6[%get3A_42, %get3A_43] {strides = array<i32>} : memref<8x128xf32, #tpu.memory_space<vmem>>, vector<1x16xf32>,
      %get3A_45 = vector.shape_cast %get3A_44 : vector<1x16xf32> to vector<16xf32>
      %add3A_46 = arith.addf %add3A_40, %get3A_45 : vector<16xf32>
      %get3A_47 = arith.constant 6 : i32
      %get3A_48 = arith.index_cast %get3A_47 : i32 to index
      %get3A_49 = arith.constant 0 : index
      %get3A_50 = tpu.vector_load %arg6[%get3A_48, %get3A_49] {strides = array<i32>} : memref<8x128xf32, #tpu.memory_space<vmem>>, vector<1x16xf32>,
      %get3A_51 = vector.shape_cast %get3A_50 : vector<1x16xf32> to vector<16xf32>
      %add3A_52 = arith.addf %add3A_46, %get3A_51 : vector<16xf32>
      %get3A_53 = arith.constant 7 : i32
      %get3A_54 = arith.index_cast %get3A_53 : i32 to index
      %get3A_55 = arith.constant 0 : index
      %get3A_56 = tpu.vector_load %arg6[%get3A_54, %get3A_55] {strides = array<i32>} : memref<8x128xf32, #tpu.memory_space<vmem>>, vector<1x16xf32>,
      %get3A_57 = vector.shape_cast %get3A_56 : vector<1x16xf32> to vector<16xf32>
      %add3A_58 = arith.addf %add3A_52, %get3A_57 : vector<16xf32>
      %swap3A = arith.constant 0 : index
      %swap3A_59 = tpu.vector_load %arg7[%swap3A] {strides = array<i32>} : memref<128xf32, #tpu.memory_space<vmem>>, vector<16xf32>,
      %swap3A_60 = vector.shape_cast %swap3A_59 : vector<16xf32> to vector<16xf32>
      %swap3A_61 = vector.shape_cast %add3A_58 : vector<16xf32> to vector<16xf32>
      tpu.vector_store %arg7[%swap3A], %swap3A_61 {strides = array<i32>} : memref<128xf32, #tpu.memory_space<vmem>>, vector<16xf32>,
      %get3A_62 = arith.constant 0 : i32
      %get3A_63 = arith.index_cast %get3A_62 : i32 to index
      %get3A_64 = arith.constant 16 : index
      %get3A_65 = tpu.vector_load %arg6[%get3A_63, %get3A_64] {strides = array<i32>} : memref<8x128xf32, #tpu.memory_space<vmem>>, vector<1x16xf32>,
      %get3A_66 = vector.shape_cast %get3A_65 : vector<1x16xf32> to vector<16xf32>
      %get3A_67 = arith.constant 1 : i32
      %get3A_68 = arith.index_cast %get3A_67 : i32 to index
      %get3A_69 = arith.constant 16 : index
      %get3A_70 = tpu.vector_load %arg6[%get3A_68, %get3A_69] {strides = array<i32>} : memref<8x128xf32, #tpu.memory_space<vmem>>, vector<1x16xf32>,
      %get3A_71 = vector.shape_cast %get3A_70 : vector<1x16xf32> to vector<16xf32>
      %add3A_72 = arith.addf %get3A_66, %get3A_71 : vector<16xf32>
      %get3A_73 = arith.constant 2 : i32
      %get3A_74 = arith.index_cast %get3A_73 : i32 to index
      %get3A_75 = arith.constant 16 : index
      %get3A_76 = tpu.vector_load %arg6[%get3A_74, %get3A_75] {strides = array<i32>} : memref<8x128xf32, #tpu.memory_space<vmem>>, vector<1x16xf32>,
      %get3A_77 = vector.shape_cast %get3A_76 : vector<1x16xf32> to vector<16xf32>
      %add3A_78 = arith.addf %add3A_72, %get3A_77 : vector<16xf32>
      %get3A_79 = arith.constant 3 : i32
      %get3A_80 = arith.index_cast %get3A_79 : i32 to index
      %get3A_81 = arith.constant 16 : index
      %get3A_82 = tpu.vector_load %arg6[%get3A_80, %get3A_81] {strides = array<i32>} : memref<8x128xf32, #tpu.memory_space<vmem>>, vector<1x16xf32>,
      %get3A_83 = vector.shape_cast %get3A_82 : vector<1x16xf32> to vector<16xf32>
      %add3A_84 = arith.addf %add3A_78, %get3A_83 : vector<16xf32>
      %get3A_85 = arith.constant 4 : i32
      %get3A_86 = arith.index_cast %get3A_85 : i32 to index
      %get3A_87 = arith.constant 16 : index
      %get3A_88 = tpu.vector_load %arg6[%get3A_86, %get3A_87] {strides = array<i32>} : memref<8x128xf32, #tpu.memory_space<vmem>>, vector<1x16xf32>,
      %get3A_89 = vector.shape_cast %get3A_88 : vector<1x16xf32> to vector<16xf32>
      %add3A_90 = arith.addf %add3A_84, %get3A_89 : vector<16xf32>
      %get3A_91 = arith.constant 5 : i32
      %get3A_92 = arith.index_cast %get3A_91 : i32 to index
      %get3A_93 = arith.constant 16 : index
      %get3A_94 = tpu.vector_load %arg6[%get3A_92, %get3A_93] {strides = array<i32>} : memref<8x128xf32, #tpu.memory_space<vmem>>, vector<1x16xf32>,
      %get3A_95 = vector.shape_cast %get3A_94 : vector<1x16xf32> to vector<16xf32>
      %add3A_96 = arith.addf %add3A_90, %get3A_95 : vector<16xf32>
      %get3A_97 = arith.constant 6 : i32
      %get3A_98 = arith.index_cast %get3A_97 : i32 to index
      %get3A_99 = arith.constant 16 : index
      %get3A_100 = tpu.vector_load %arg6[%get3A_98, %get3A_99] {strides = array<i32>} : memref<8x128xf32, #tpu.memory_space<vmem>>, vector<1x16xf32>,
      %get3A_101 = vector.shape_cast %get3A_100 : vector<1x16xf32> to vector<16xf32>
      %add3A_102 = arith.addf %add3A_96, %get3A_101 : vector<16xf32>
      %get3A_103 = arith.constant 7 : i32
      %get3A_104 = arith.index_cast %get3A_103 : i32 to index
      %get3A_105 = arith.constant 16 : index
      %get3A_106 = tpu.vector_load %arg6[%get3A_104, %get3A_105] {strides = array<i32>} : memref<8x128xf32, #tpu.memory_space<vmem>>, vector<1x16xf32>,
      %get3A_107 = vector.shape_cast %get3A_106 : vector<1x16xf32> to vector<16xf32>
      %add3A_108 = arith.addf %add3A_102, %get3A_107 : vector<16xf32>
      %swap3A_109 = arith.constant 16 : index
      %swap3A_110 = tpu.vector_load %arg7[%swap3A_109] {strides = array<i32>} : memref<128xf32, #tpu.memory_space<vmem>>, vector<16xf32>,
      %swap3A_111 = vector.shape_cast %swap3A_110 : vector<16xf32> to vector<16xf32>
      %swap3A_112 = vector.shape_cast %add3A_108 : vector<16xf32> to vector<16xf32>
      tpu.vector_store %arg7[%swap3A_109], %swap3A_112 {strides = array<i32>} : memref<128xf32, #tpu.memory_space<vmem>>, vector<16xf32>,
      %get3A_113 = arith.constant 0 : i32
      %get3A_114 = arith.index_cast %get3A_113 : i32 to index
      %get3A_115 = arith.constant 32 : index
      %get3A_116 = tpu.vector_load %arg6[%get3A_114, %get3A_115] {strides = array<i32>} : memref<8x128xf32, #tpu.memory_space<vmem>>, vector<1x16xf32>,
      %get3A_117 = vector.shape_cast %get3A_116 : vector<1x16xf32> to vector<16xf32>
      %get3A_118 = arith.constant 1 : i32
      %get3A_119 = arith.index_cast %get3A_118 : i32 to index
      %get3A_120 = arith.constant 32 : index
      %get3A_121 = tpu.vector_load %arg6[%get3A_119, %get3A_120] {strides = array<i32>} : memref<8x128xf32, #tpu.memory_space<vmem>>, vector<1x16xf32>,
      %get3A_122 = vector.shape_cast %get3A_121 : vector<1x16xf32> to vector<16xf32>
      %add3A_123 = arith.addf %get3A_117, %get3A_122 : vector<16xf32>
      %get3A_124 = arith.constant 2 : i32
      %get3A_125 = arith.index_cast %get3A_124 : i32 to index
      %get3A_126 = arith.constant 32 : index
      %get3A_127 = tpu.vector_load %arg6[%get3A_125, %get3A_126] {strides = array<i32>} : memref<8x128xf32, #tpu.memory_space<vmem>>, vector<1x16xf32>,
      %get3A_128 = vector.shape_cast %get3A_127 : vector<1x16xf32> to vector<16xf32>
      %add3A_129 = arith.addf %add3A_123, %get3A_128 : vector<16xf32>
      %get3A_130 = arith.constant 3 : i32
      %get3A_131 = arith.index_cast %get3A_130 : i32 to index
      %get3A_132 = arith.constant 32 : index
      %get3A_133 = tpu.vector_load %arg6[%get3A_131, %get3A_132] {strides = array<i32>} : memref<8x128xf32, #tpu.memory_space<vmem>>, vector<1x16xf32>,
      %get3A_134 = vector.shape_cast %get3A_133 : vector<1x16xf32> to vector<16xf32>
      %add3A_135 = arith.addf %add3A_129, %get3A_134 : vector<16xf32>
      %get3A_136 = arith.constant 4 : i32
      %get3A_137 = arith.index_cast %get3A_136 : i32 to index
      %get3A_138 = arith.constant 32 : index
      %get3A_139 = tpu.vector_load %arg6[%get3A_137, %get3A_138] {strides = array<i32>} : memref<8x128xf32, #tpu.memory_space<vmem>>, vector<1x16xf32>,
      %get3A_140 = vector.shape_cast %get3A_139 : vector<1x16xf32> to vector<16xf32>
      %add3A_141 = arith.addf %add3A_135, %get3A_140 : vector<16xf32>
      %get3A_142 = arith.constant 5 : i32
      %get3A_143 = arith.index_cast %get3A_142 : i32 to index
      %get3A_144 = arith.constant 32 : index
      %get3A_145 = tpu.vector_load %arg6[%get3A_143, %get3A_144] {strides = array<i32>} : memref<8x128xf32, #tpu.memory_space<vmem>>, vector<1x16xf32>,
      %get3A_146 = vector.shape_cast %get3A_145 : vector<1x16xf32> to vector<16xf32>
      %add3A_147 = arith.addf %add3A_141, %get3A_146 : vector<16xf32>
      %get3A_148 = arith.constant 6 : i32
      %get3A_149 = arith.index_cast %get3A_148 : i32 to index
      %get3A_150 = arith.constant 32 : index
      %get3A_151 = tpu.vector_load %arg6[%get3A_149, %get3A_150] {strides = array<i32>} : memref<8x128xf32, #tpu.memory_space<vmem>>, vector<1x16xf32>,
      %get3A_152 = vector.shape_cast %get3A_151 : vector<1x16xf32> to vector<16xf32>
      %add3A_153 = arith.addf %add3A_147, %get3A_152 : vector<16xf32>
      %get3A_154 = arith.constant 7 : i32
      %get3A_155 = arith.index_cast %get3A_154 : i32 to index
      %get3A_156 = arith.constant 32 : index
      %get3A_157 = tpu.vector_load %arg6[%get3A_155, %get3A_156] {strides = array<i32>} : memref<8x128xf32, #tpu.memory_space<vmem>>, vector<1x16xf32>,
      %get3A_158 = vector.shape_cast %get3A_157 : vector<1x16xf32> to vector<16xf32>
      %add3A_159 = arith.addf %add3A_153, %get3A_158 : vector<16xf32>
      %swap3A_160 = arith.constant 32 : index
      %swap3A_161 = tpu.vector_load %arg7[%swap3A_160] {strides = array<i32>} : memref<128xf32, #tpu.memory_space<vmem>>, vector<16xf32>,
      %swap3A_162 = vector.shape_cast %swap3A_161 : vector<16xf32> to vector<16xf32>
      %swap3A_163 = vector.shape_cast %add3A_159 : vector<16xf32> to vector<16xf32>
      tpu.vector_store %arg7[%swap3A_160], %swap3A_163 {strides = array<i32>} : memref<128xf32, #tpu.memory_space<vmem>>, vector<16xf32>,
      %get3A_164 = arith.constant 0 : i32
      %get3A_165 = arith.index_cast %get3A_164 : i32 to index
      %get3A_166 = arith.constant 48 : index
      %get3A_167 = tpu.vector_load %arg6[%get3A_165, %get3A_166] {strides = array<i32>} : memref<8x128xf32, #tpu.memory_space<vmem>>, vector<1x16xf32>,
      %get3A_168 = vector.shape_cast %get3A_167 : vector<1x16xf32> to vector<16xf32>
      %get3A_169 = arith.constant 1 : i32
      %get3A_170 = arith.index_cast %get3A_169 : i32 to index
      %get3A_171 = arith.constant 48 : index
      %get3A_172 = tpu.vector_load %arg6[%get3A_170, %get3A_171] {strides = array<i32>} : memref<8x128xf32, #tpu.memory_space<vmem>>, vector<1x16xf32>,
      %get3A_173 = vector.shape_cast %get3A_172 : vector<1x16xf32> to vector<16xf32>
      %add3A_174 = arith.addf %get3A_168, %get3A_173 : vector<16xf32>
      %get3A_175 = arith.constant 2 : i32
      %get3A_176 = arith.index_cast %get3A_175 : i32 to index
      %get3A_177 = arith.constant 48 : index
      %get3A_178 = tpu.vector_load %arg6[%get3A_176, %get3A_177] {strides = array<i32>} : memref<8x128xf32, #tpu.memory_space<vmem>>, vector<1x16xf32>,
      %get3A_179 = vector.shape_cast %get3A_178 : vector<1x16xf32> to vector<16xf32>
      %add3A_180 = arith.addf %add3A_174, %get3A_179 : vector<16xf32>
      %get3A_181 = arith.constant 3 : i32
      %get3A_182 = arith.index_cast %get3A_181 : i32 to index
      %get3A_183 = arith.constant 48 : index
      %get3A_184 = tpu.vector_load %arg6[%get3A_182, %get3A_183] {strides = array<i32>} : memref<8x128xf32, #tpu.memory_space<vmem>>, vector<1x16xf32>,
      %get3A_185 = vector.shape_cast %get3A_184 : vector<1x16xf32> to vector<16xf32>
      %add3A_186 = arith.addf %add3A_180, %get3A_185 : vector<16xf32>
      %get3A_187 = arith.constant 4 : i32
      %get3A_188 = arith.index_cast %get3A_187 : i32 to index
      %get3A_189 = arith.constant 48 : index
      %get3A_190 = tpu.vector_load %arg6[%get3A_188, %get3A_189] {strides = array<i32>} : memref<8x128xf32, #tpu.memory_space<vmem>>, vector<1x16xf32>,
      %get3A_191 = vector.shape_cast %get3A_190 : vector<1x16xf32> to vector<16xf32>
      %add3A_192 = arith.addf %add3A_186, %get3A_191 : vector<16xf32>
      %get3A_193 = arith.constant 5 : i32
      %get3A_194 = arith.index_cast %get3A_193 : i32 to index
      %get3A_195 = arith.constant 48 : index
      %get3A_196 = tpu.vector_load %arg6[%get3A_194, %get3A_195] {strides = array<i32>} : memref<8x128xf32, #tpu.memory_space<vmem>>, vector<1x16xf32>,
      %get3A_197 = vector.shape_cast %get3A_196 : vector<1x16xf32> to vector<16xf32>
      %add3A_198 = arith.addf %add3A_192, %get3A_197 : vector<16xf32>
      %get3A_199 = arith.constant 6 : i32
      %get3A_200 = arith.index_cast %get3A_199 : i32 to index
      %get3A_201 = arith.constant 48 : index
      %get3A_202 = tpu.vector_load %arg6[%get3A_200, %get3A_201] {strides = array<i32>} : memref<8x128xf32, #tpu.memory_space<vmem>>, vector<1x16xf32>,
      %get3A_203 = vector.shape_cast %get3A_202 : vector<1x16xf32> to vector<16xf32>
      %add3A_204 = arith.addf %add3A_198, %get3A_203 : vector<16xf32>
      %get3A_205 = arith.constant 7 : i32
      %get3A_206 = arith.index_cast %get3A_205 : i32 to index
      %get3A_207 = arith.constant 48 : index
      %get3A_208 = tpu.vector_load %arg6[%get3A_206, %get3A_207] {strides = array<i32>} : memref<8x128xf32, #tpu.memory_space<vmem>>, vector<1x16xf32>,
      %get3A_209 = vector.shape_cast %get3A_208 : vector<1x16xf32> to vector<16xf32>
      %add3A_210 = arith.addf %add3A_204, %get3A_209 : vector<16xf32>
      %swap3A_211 = arith.constant 48 : index
      %swap3A_212 = tpu.vector_load %arg7[%swap3A_211] {strides = array<i32>} : memref<128xf32, #tpu.memory_space<vmem>>, vector<16xf32>,
      %swap3A_213 = vector.shape_cast %swap3A_212 : vector<16xf32> to vector<16xf32>
      %swap3A_214 = vector.shape_cast %add3A_210 : vector<16xf32> to vector<16xf32>
      tpu.vector_store %arg7[%swap3A_211], %swap3A_214 {strides = array<i32>} : memref<128xf32, #tpu.memory_space<vmem>>, vector<16xf32>,
      %get3A_215 = arith.constant 0 : i32
      %get3A_216 = arith.index_cast %get3A_215 : i32 to index
      %get3A_217 = arith.constant 64 : index
      %get3A_218 = tpu.vector_load %arg6[%get3A_216, %get3A_217] {strides = array<i32>} : memref<8x128xf32, #tpu.memory_space<vmem>>, vector<1x16xf32>,
      %get3A_219 = vector.shape_cast %get3A_218 : vector<1x16xf32> to vector<16xf32>
      %get3A_220 = arith.constant 1 : i32
      %get3A_221 = arith.index_cast %get3A_220 : i32 to index
      %get3A_222 = arith.constant 64 : index
      %get3A_223 = tpu.vector_load %arg6[%get3A_221, %get3A_222] {strides = array<i32>} : memref<8x128xf32, #tpu.memory_space<vmem>>, vector<1x16xf32>,
      %get3A_224 = vector.shape_cast %get3A_223 : vector<1x16xf32> to vector<16xf32>
      %add3A_225 = arith.addf %get3A_219, %get3A_224 : vector<16xf32>
      %get3A_226 = arith.constant 2 : i32
      %get3A_227 = arith.index_cast %get3A_226 : i32 to index
      %get3A_228 = arith.constant 64 : index
      %get3A_229 = tpu.vector_load %arg6[%get3A_227, %get3A_228] {strides = array<i32>} : memref<8x128xf32, #tpu.memory_space<vmem>>, vector<1x16xf32>,
      %get3A_230 = vector.shape_cast %get3A_229 : vector<1x16xf32> to vector<16xf32>
      %add3A_231 = arith.addf %add3A_225, %get3A_230 : vector<16xf32>
      %get3A_232 = arith.constant 3 : i32
      %get3A_233 = arith.index_cast %get3A_232 : i32 to index
      %get3A_234 = arith.constant 64 : index
      %get3A_235 = tpu.vector_load %arg6[%get3A_233, %get3A_234] {strides = array<i32>} : memref<8x128xf32, #tpu.memory_space<vmem>>, vector<1x16xf32>,
      %get3A_236 = vector.shape_cast %get3A_235 : vector<1x16xf32> to vector<16xf32>
      %add3A_237 = arith.addf %add3A_231, %get3A_236 : vector<16xf32>
      %get3A_238 = arith.constant 4 : i32
      %get3A_239 = arith.index_cast %get3A_238 : i32 to index
      %get3A_240 = arith.constant 64 : index
      %get3A_241 = tpu.vector_load %arg6[%get3A_239, %get3A_240] {strides = array<i32>} : memref<8x128xf32, #tpu.memory_space<vmem>>, vector<1x16xf32>,
      %get3A_242 = vector.shape_cast %get3A_241 : vector<1x16xf32> to vector<16xf32>
      %add3A_243 = arith.addf %add3A_237, %get3A_242 : vector<16xf32>
      %get3A_244 = arith.constant 5 : i32
      %get3A_245 = arith.index_cast %get3A_244 : i32 to index
      %get3A_246 = arith.constant 64 : index
      %get3A_247 = tpu.vector_load %arg6[%get3A_245, %get3A_246] {strides = array<i32>} : memref<8x128xf32, #tpu.memory_space<vmem>>, vector<1x16xf32>,
      %get3A_248 = vector.shape_cast %get3A_247 : vector<1x16xf32> to vector<16xf32>
      %add3A_249 = arith.addf %add3A_243, %get3A_248 : vector<16xf32>
      %get3A_250 = arith.constant 6 : i32
      %get3A_251 = arith.index_cast %get3A_250 : i32 to index
      %get3A_252 = arith.constant 64 : index
      %get3A_253 = tpu.vector_load %arg6[%get3A_251, %get3A_252] {strides = array<i32>} : memref<8x128xf32, #tpu.memory_space<vmem>>, vector<1x16xf32>,
      %get3A_254 = vector.shape_cast %get3A_253 : vector<1x16xf32> to vector<16xf32>
      %add3A_255 = arith.addf %add3A_249, %get3A_254 : vector<16xf32>
      %get3A_256 = arith.constant 7 : i32
      %get3A_257 = arith.index_cast %get3A_256 : i32 to index
      %get3A_258 = arith.constant 64 : index
      %get3A_259 = tpu.vector_load %arg6[%get3A_257, %get3A_258] {strides = array<i32>} : memref<8x128xf32, #tpu.memory_space<vmem>>, vector<1x16xf32>,
      %get3A_260 = vector.shape_cast %get3A_259 : vector<1x16xf32> to vector<16xf32>
      %add3A_261 = arith.addf %add3A_255, %get3A_260 : vector<16xf32>
      %swap3A_262 = arith.constant 64 : index
      %swap3A_263 = tpu.vector_load %arg7[%swap3A_262] {strides = array<i32>} : memref<128xf32, #tpu.memory_space<vmem>>, vector<16xf32>,
      %swap3A_264 = vector.shape_cast %swap3A_263 : vector<16xf32> to vector<16xf32>
      %swap3A_265 = vector.shape_cast %add3A_261 : vector<16xf32> to vector<16xf32>
      tpu.vector_store %arg7[%swap3A_262], %swap3A_265 {strides = array<i32>} : memref<128xf32, #tpu.memory_space<vmem>>, vector<16xf32>,
      %get3A_266 = arith.constant 0 : i32
      %get3A_267 = arith.index_cast %get3A_266 : i32 to index
      %get3A_268 = arith.constant 80 : index
      %get3A_269 = tpu.vector_load %arg6[%get3A_267, %get3A_268] {strides = array<i32>} : memref<8x128xf32, #tpu.memory_space<vmem>>, vector<1x16xf32>,
      %get3A_270 = vector.shape_cast %get3A_269 : vector<1x16xf32> to vector<16xf32>
      %get3A_271 = arith.constant 1 : i32
      %get3A_272 = arith.index_cast %get3A_271 : i32 to index
      %get3A_273 = arith.constant 80 : index
      %get3A_274 = tpu.vector_load %arg6[%get3A_272, %get3A_273] {strides = array<i32>} : memref<8x128xf32, #tpu.memory_space<vmem>>, vector<1x16xf32>,
      %get3A_275 = vector.shape_cast %get3A_274 : vector<1x16xf32> to vector<16xf32>
      %add3A_276 = arith.addf %get3A_270, %get3A_275 : vector<16xf32>
      %get3A_277 = arith.constant 2 : i32
      %get3A_278 = arith.index_cast %get3A_277 : i32 to index
      %get3A_279 = arith.constant 80 : index
      %get3A_280 = tpu.vector_load %arg6[%get3A_278, %get3A_279] {strides = array<i32>} : memref<8x128xf32, #tpu.memory_space<vmem>>, vector<1x16xf32>,
      %get3A_281 = vector.shape_cast %get3A_280 : vector<1x16xf32> to vector<16xf32>
      %add3A_282 = arith.addf %add3A_276, %get3A_281 : vector<16xf32>
      %get3A_283 = arith.constant 3 : i32
      %get3A_284 = arith.index_cast %get3A_283 : i32 to index
      %get3A_285 = arith.constant 80 : index
      %get3A_286 = tpu.vector_load %arg6[%get3A_284, %get3A_285] {strides = array<i32>} : memref<8x128xf32, #tpu.memory_space<vmem>>, vector<1x16xf32>,
      %get3A_287 = vector.shape_cast %get3A_286 : vector<1x16xf32> to vector<16xf32>
      %add3A_288 = arith.addf %add3A_282, %get3A_287 : vector<16xf32>
      %get3A_289 = arith.constant 4 : i32
      %get3A_290 = arith.index_cast %get3A_289 : i32 to index
      %get3A_291 = arith.constant 80 : index
      %get3A_292 = tpu.vector_load %arg6[%get3A_290, %get3A_291] {strides = array<i32>} : memref<8x128xf32, #tpu.memory_space<vmem>>, vector<1x16xf32>,
      %get3A_293 = vector.shape_cast %get3A_292 : vector<1x16xf32> to vector<16xf32>
      %add3A_294 = arith.addf %add3A_288, %get3A_293 : vector<16xf32>
      %get3A_295 = arith.constant 5 : i32
      %get3A_296 = arith.index_cast %get3A_295 : i32 to index
      %get3A_297 = arith.constant 80 : index
      %get3A_298 = tpu.vector_load %arg6[%get3A_296, %get3A_297] {strides = array<i32>} : memref<8x128xf32, #tpu.memory_space<vmem>>, vector<1x16xf32>,
      %get3A_299 = vector.shape_cast %get3A_298 : vector<1x16xf32> to vector<16xf32>
      %add3A_300 = arith.addf %add3A_294, %get3A_299 : vector<16xf32>
      %get3A_301 = arith.constant 6 : i32
      %get3A_302 = arith.index_cast %get3A_301 : i32 to index
      %get3A_303 = arith.constant 80 : index
      %get3A_304 = tpu.vector_load %arg6[%get3A_302, %get3A_303] {strides = array<i32>} : memref<8x128xf32, #tpu.memory_space<vmem>>, vector<1x16xf32>,
      %get3A_305 = vector.shape_cast %get3A_304 : vector<1x16xf32> to vector<16xf32>
      %add3A_306 = arith.addf %add3A_300, %get3A_305 : vector<16xf32>
      %get3A_307 = arith.constant 7 : i32
      %get3A_308 = arith.index_cast %get3A_307 : i32 to index
      %get3A_309 = arith.constant 80 : index
      %get3A_310 = tpu.vector_load %arg6[%get3A_308, %get3A_309] {strides = array<i32>} : memref<8x128xf32, #tpu.memory_space<vmem>>, vector<1x16xf32>,
      %get3A_311 = vector.shape_cast %get3A_310 : vector<1x16xf32> to vector<16xf32>
      %add3A_312 = arith.addf %add3A_306, %get3A_311 : vector<16xf32>
      %swap3A_313 = arith.constant 80 : index
      %swap3A_314 = tpu.vector_load %arg7[%swap3A_313] {strides = array<i32>} : memref<128xf32, #tpu.memory_space<vmem>>, vector<16xf32>,
      %swap3A_315 = vector.shape_cast %swap3A_314 : vector<16xf32> to vector<16xf32>
      %swap3A_316 = vector.shape_cast %add3A_312 : vector<16xf32> to vector<16xf32>
      tpu.vector_store %arg7[%swap3A_313], %swap3A_316 {strides = array<i32>} : memref<128xf32, #tpu.memory_space<vmem>>, vector<16xf32>,
      %get3A_317 = arith.constant 0 : i32
      %get3A_318 = arith.index_cast %get3A_317 : i32 to index
      %get3A_319 = arith.constant 96 : index
      %get3A_320 = tpu.vector_load %arg6[%get3A_318, %get3A_319] {strides = array<i32>} : memref<8x128xf32, #tpu.memory_space<vmem>>, vector<1x16xf32>,
      %get3A_321 = vector.shape_cast %get3A_320 : vector<1x16xf32> to vector<16xf32>
      %get3A_322 = arith.constant 1 : i32
      %get3A_323 = arith.index_cast %get3A_322 : i32 to index
      %get3A_324 = arith.constant 96 : index
      %get3A_325 = tpu.vector_load %arg6[%get3A_323, %get3A_324] {strides = array<i32>} : memref<8x128xf32, #tpu.memory_space<vmem>>, vector<1x16xf32>,
      %get3A_326 = vector.shape_cast %get3A_325 : vector<1x16xf32> to vector<16xf32>
      %add3A_327 = arith.addf %get3A_321, %get3A_326 : vector<16xf32>
      %get3A_328 = arith.constant 2 : i32
      %get3A_329 = arith.index_cast %get3A_328 : i32 to index
      %get3A_330 = arith.constant 96 : index
      %get3A_331 = tpu.vector_load %arg6[%get3A_329, %get3A_330] {strides = array<i32>} : memref<8x128xf32, #tpu.memory_space<vmem>>, vector<1x16xf32>,
      %get3A_332 = vector.shape_cast %get3A_331 : vector<1x16xf32> to vector<16xf32>
      %add3A_333 = arith.addf %add3A_327, %get3A_332 : vector<16xf32>
      %get3A_334 = arith.constant 3 : i32
      %get3A_335 = arith.index_cast %get3A_334 : i32 to index
      %get3A_336 = arith.constant 96 : index
      %get3A_337 = tpu.vector_load %arg6[%get3A_335, %get3A_336] {strides = array<i32>} : memref<8x128xf32, #tpu.memory_space<vmem>>, vector<1x16xf32>,
      %get3A_338 = vector.shape_cast %get3A_337 : vector<1x16xf32> to vector<16xf32>
      %add3A_339 = arith.addf %add3A_333, %get3A_338 : vector<16xf32>
      %get3A_340 = arith.constant 4 : i32
      %get3A_341 = arith.index_cast %get3A_340 : i32 to index
      %get3A_342 = arith.constant 96 : index
      %get3A_343 = tpu.vector_load %arg6[%get3A_341, %get3A_342] {strides = array<i32>} : memref<8x128xf32, #tpu.memory_space<vmem>>, vector<1x16xf32>,
      %get3A_344 = vector.shape_cast %get3A_343 : vector<1x16xf32> to vector<16xf32>
      %add3A_345 = arith.addf %add3A_339, %get3A_344 : vector<16xf32>
      %get3A_346 = arith.constant 5 : i32
      %get3A_347 = arith.index_cast %get3A_346 : i32 to index
      %get3A_348 = arith.constant 96 : index
      %get3A_349 = tpu.vector_load %arg6[%get3A_347, %get3A_348] {strides = array<i32>} : memref<8x128xf32, #tpu.memory_space<vmem>>, vector<1x16xf32>,
      %get3A_350 = vector.shape_cast %get3A_349 : vector<1x16xf32> to vector<16xf32>
      %add3A_351 = arith.addf %add3A_345, %get3A_350 : vector<16xf32>
      %get3A_352 = arith.constant 6 : i32
      %get3A_353 = arith.index_cast %get3A_352 : i32 to index
      %get3A_354 = arith.constant 96 : index
      %get3A_355 = tpu.vector_load %arg6[%get3A_353, %get3A_354] {strides = array<i32>} : memref<8x128xf32, #tpu.memory_space<vmem>>, vector<1x16xf32>,
      %get3A_356 = vector.shape_cast %get3A_355 : vector<1x16xf32> to vector<16xf32>
      %add3A_357 = arith.addf %add3A_351, %get3A_356 : vector<16xf32>
      %get3A_358 = arith.constant 7 : i32
      %get3A_359 = arith.index_cast %get3A_358 : i32 to index
      %get3A_360 = arith.constant 96 : index
      %get3A_361 = tpu.vector_load %arg6[%get3A_359, %get3A_360] {strides = array<i32>} : memref<8x128xf32, #tpu.memory_space<vmem>>, vector<1x16xf32>,
      %get3A_362 = vector.shape_cast %get3A_361 : vector<1x16xf32> to vector<16xf32>
      %add3A_363 = arith.addf %add3A_357, %get3A_362 : vector<16xf32>
      %swap3A_364 = arith.constant 96 : index
      %swap3A_365 = tpu.vector_load %arg7[%swap3A_364] {strides = array<i32>} : memref<128xf32, #tpu.memory_space<vmem>>, vector<16xf32>,
      %swap3A_366 = vector.shape_cast %swap3A_365 : vector<16xf32> to vector<16xf32>
      %swap3A_367 = vector.shape_cast %add3A_363 : vector<16xf32> to vector<16xf32>
      tpu.vector_store %arg7[%swap3A_364], %swap3A_367 {strides = array<i32>} : memref<128xf32, #tpu.memory_space<vmem>>, vector<16xf32>,
      %get3A_368 = arith.constant 0 : i32
      %get3A_369 = arith.index_cast %get3A_368 : i32 to index
      %get3A_370 = arith.constant 112 : index
      %get3A_371 = tpu.vector_load %arg6[%get3A_369, %get3A_370] {strides = array<i32>} : memref<8x128xf32, #tpu.memory_space<vmem>>, vector<1x16xf32>,
      %get3A_372 = vector.shape_cast %get3A_371 : vector<1x16xf32> to vector<16xf32>
      %get3A_373 = arith.constant 1 : i32
      %get3A_374 = arith.index_cast %get3A_373 : i32 to index
      %get3A_375 = arith.constant 112 : index
      %get3A_376 = tpu.vector_load %arg6[%get3A_374, %get3A_375] {strides = array<i32>} : memref<8x128xf32, #tpu.memory_space<vmem>>, vector<1x16xf32>,
      %get3A_377 = vector.shape_cast %get3A_376 : vector<1x16xf32> to vector<16xf32>
      %add3A_378 = arith.addf %get3A_372, %get3A_377 : vector<16xf32>
      %get3A_379 = arith.constant 2 : i32
      %get3A_380 = arith.index_cast %get3A_379 : i32 to index
      %get3A_381 = arith.constant 112 : index
      %get3A_382 = tpu.vector_load %arg6[%get3A_380, %get3A_381] {strides = array<i32>} : memref<8x128xf32, #tpu.memory_space<vmem>>, vector<1x16xf32>,
      %get3A_383 = vector.shape_cast %get3A_382 : vector<1x16xf32> to vector<16xf32>
      %add3A_384 = arith.addf %add3A_378, %get3A_383 : vector<16xf32>
      %get3A_385 = arith.constant 3 : i32
      %get3A_386 = arith.index_cast %get3A_385 : i32 to index
      %get3A_387 = arith.constant 112 : index
      %get3A_388 = tpu.vector_load %arg6[%get3A_386, %get3A_387] {strides = array<i32>} : memref<8x128xf32, #tpu.memory_space<vmem>>, vector<1x16xf32>,
      %get3A_389 = vector.shape_cast %get3A_388 : vector<1x16xf32> to vector<16xf32>
      %add3A_390 = arith.addf %add3A_384, %get3A_389 : vector<16xf32>
      %get3A_391 = arith.constant 4 : i32
      %get3A_392 = arith.index_cast %get3A_391 : i32 to index
      %get3A_393 = arith.constant 112 : index
      %get3A_394 = tpu.vector_load %arg6[%get3A_392, %get3A_393] {strides = array<i32>} : memref<8x128xf32, #tpu.memory_space<vmem>>, vector<1x16xf32>,
      %get3A_395 = vector.shape_cast %get3A_394 : vector<1x16xf32> to vector<16xf32>
      %add3A_396 = arith.addf %add3A_390, %get3A_395 : vector<16xf32>
      %get3A_397 = arith.constant 5 : i32
      %get3A_398 = arith.index_cast %get3A_397 : i32 to index
      %get3A_399 = arith.constant 112 : index
      %get3A_400 = tpu.vector_load %arg6[%get3A_398, %get3A_399] {strides = array<i32>} : memref<8x128xf32, #tpu.memory_space<vmem>>, vector<1x16xf32>,
      %get3A_401 = vector.shape_cast %get3A_400 : vector<1x16xf32> to vector<16xf32>
      %add3A_402 = arith.addf %add3A_396, %get3A_401 : vector<16xf32>
      %get3A_403 = arith.constant 6 : i32
      %get3A_404 = arith.index_cast %get3A_403 : i32 to index
      %get3A_405 = arith.constant 112 : index
      %get3A_406 = tpu.vector_load %arg6[%get3A_404, %get3A_405] {strides = array<i32>} : memref<8x128xf32, #tpu.memory_space<vmem>>, vector<1x16xf32>,
      %get3A_407 = vector.shape_cast %get3A_406 : vector<1x16xf32> to vector<16xf32>
      %add3A_408 = arith.addf %add3A_402, %get3A_407 : vector<16xf32>
      %get3A_409 = arith.constant 7 : i32
      %get3A_410 = arith.index_cast %get3A_409 : i32 to index
      %get3A_411 = arith.constant 112 : index
      %get3A_412 = tpu.vector_load %arg6[%get3A_410, %get3A_411] {strides = array<i32>} : memref<8x128xf32, #tpu.memory_space<vmem>>, vector<1x16xf32>,
      %get3A_413 = vector.shape_cast %get3A_412 : vector<1x16xf32> to vector<16xf32>
      %add3A_414 = arith.addf %add3A_408, %get3A_413 : vector<16xf32>
      %swap3A_415 = arith.constant 112 : index
      %swap3A_416 = tpu.vector_load %arg7[%swap3A_415] {strides = array<i32>} : memref<128xf32, #tpu.memory_space<vmem>>, vector<16xf32>,
      %swap3A_417 = vector.shape_cast %swap3A_416 : vector<16xf32> to vector<16xf32>
      %swap3A_418 = vector.shape_cast %add3A_414 : vector<16xf32> to vector<16xf32>
      tpu.vector_store %arg7[%swap3A_415], %swap3A_418 {strides = array<i32>} : memref<128xf32, #tpu.memory_space<vmem>>, vector<16xf32>,
    } else {
    }
    %ge3A = arith.constant 25 : i32
    %ge3A_3 = arith.cmpi sge, %add3A, %ge3A : i32
    %convert_element_type3A_4 = arith.extui %ge3A_3 : i1 to i32
    %cond3A_5 = arith.constant 0 : i32
    %cond3A_6 = arith.cmpi ne, %convert_element_type3A_4, %cond3A_5 : i32
    scf.if %cond3A_6 {
      %broadcast_in_dim3A = arith.constant 0.000000e+00 : f32
      %broadcast_in_dim3A_7 = vector.broadcast %broadcast_in_dim3A : f32 to vector<16xf32>
      %swap3A = arith.constant 0 : index
      %swap3A_8 = tpu.vector_load %arg7[%swap3A] {strides = array<i32>} : memref<128xf32, #tpu.memory_space<vmem>>, vector<16xf32>,
      %swap3A_9 = vector.shape_cast %swap3A_8 : vector<16xf32> to vector<16xf32>
      %swap3A_10 = vector.shape_cast %broadcast_in_dim3A_7 : vector<16xf32> to vector<16xf32>
      tpu.vector_store %arg7[%swap3A], %swap3A_10 {strides = array<i32>} : memref<128xf32, #tpu.memory_space<vmem>>, vector<16xf32>,
      %broadcast_in_dim3A_11 = arith.constant 0.000000e+00 : f32
      %broadcast_in_dim3A_12 = vector.broadcast %broadcast_in_dim3A_11 : f32 to vector<16xf32>
      %swap3A_13 = arith.constant 16 : index
      %swap3A_14 = tpu.vector_load %arg7[%swap3A_13] {strides = array<i32>} : memref<128xf32, #tpu.memory_space<vmem>>, vector<16xf32>,
      %swap3A_15 = vector.shape_cast %swap3A_14 : vector<16xf32> to vector<16xf32>
      %swap3A_16 = vector.shape_cast %broadcast_in_dim3A_12 : vector<16xf32> to vector<16xf32>
      tpu.vector_store %arg7[%swap3A_13], %swap3A_16 {strides = array<i32>} : memref<128xf32, #tpu.memory_space<vmem>>, vector<16xf32>,
      %broadcast_in_dim3A_17 = arith.constant 0.000000e+00 : f32
      %broadcast_in_dim3A_18 = vector.broadcast %broadcast_in_dim3A_17 : f32 to vector<16xf32>
      %swap3A_19 = arith.constant 32 : index
      %swap3A_20 = tpu.vector_load %arg7[%swap3A_19] {strides = array<i32>} : memref<128xf32, #tpu.memory_space<vmem>>, vector<16xf32>,
      %swap3A_21 = vector.shape_cast %swap3A_20 : vector<16xf32> to vector<16xf32>
      %swap3A_22 = vector.shape_cast %broadcast_in_dim3A_18 : vector<16xf32> to vector<16xf32>
      tpu.vector_store %arg7[%swap3A_19], %swap3A_22 {strides = array<i32>} : memref<128xf32, #tpu.memory_space<vmem>>, vector<16xf32>,
      %broadcast_in_dim3A_23 = arith.constant 0.000000e+00 : f32
      %broadcast_in_dim3A_24 = vector.broadcast %broadcast_in_dim3A_23 : f32 to vector<16xf32>
      %swap3A_25 = arith.constant 48 : index
      %swap3A_26 = tpu.vector_load %arg7[%swap3A_25] {strides = array<i32>} : memref<128xf32, #tpu.memory_space<vmem>>, vector<16xf32>,
      %swap3A_27 = vector.shape_cast %swap3A_26 : vector<16xf32> to vector<16xf32>
      %swap3A_28 = vector.shape_cast %broadcast_in_dim3A_24 : vector<16xf32> to vector<16xf32>
      tpu.vector_store %arg7[%swap3A_25], %swap3A_28 {strides = array<i32>} : memref<128xf32, #tpu.memory_space<vmem>>, vector<16xf32>,
      %broadcast_in_dim3A_29 = arith.constant 0.000000e+00 : f32
      %broadcast_in_dim3A_30 = vector.broadcast %broadcast_in_dim3A_29 : f32 to vector<16xf32>
      %swap3A_31 = arith.constant 64 : index
      %swap3A_32 = tpu.vector_load %arg7[%swap3A_31] {strides = array<i32>} : memref<128xf32, #tpu.memory_space<vmem>>, vector<16xf32>,
      %swap3A_33 = vector.shape_cast %swap3A_32 : vector<16xf32> to vector<16xf32>
      %swap3A_34 = vector.shape_cast %broadcast_in_dim3A_30 : vector<16xf32> to vector<16xf32>
      tpu.vector_store %arg7[%swap3A_31], %swap3A_34 {strides = array<i32>} : memref<128xf32, #tpu.memory_space<vmem>>, vector<16xf32>,
      %broadcast_in_dim3A_35 = arith.constant 0.000000e+00 : f32
      %broadcast_in_dim3A_36 = vector.broadcast %broadcast_in_dim3A_35 : f32 to vector<16xf32>
      %swap3A_37 = arith.constant 80 : index
      %swap3A_38 = tpu.vector_load %arg7[%swap3A_37] {strides = array<i32>} : memref<128xf32, #tpu.memory_space<vmem>>, vector<16xf32>,
      %swap3A_39 = vector.shape_cast %swap3A_38 : vector<16xf32> to vector<16xf32>
      %swap3A_40 = vector.shape_cast %broadcast_in_dim3A_36 : vector<16xf32> to vector<16xf32>
      tpu.vector_store %arg7[%swap3A_37], %swap3A_40 {strides = array<i32>} : memref<128xf32, #tpu.memory_space<vmem>>, vector<16xf32>,
      %broadcast_in_dim3A_41 = arith.constant 0.000000e+00 : f32
      %broadcast_in_dim3A_42 = vector.broadcast %broadcast_in_dim3A_41 : f32 to vector<16xf32>
      %swap3A_43 = arith.constant 96 : index
      %swap3A_44 = tpu.vector_load %arg7[%swap3A_43] {strides = array<i32>} : memref<128xf32, #tpu.memory_space<vmem>>, vector<16xf32>,
      %swap3A_45 = vector.shape_cast %swap3A_44 : vector<16xf32> to vector<16xf32>
      %swap3A_46 = vector.shape_cast %broadcast_in_dim3A_42 : vector<16xf32> to vector<16xf32>
      tpu.vector_store %arg7[%swap3A_43], %swap3A_46 {strides = array<i32>} : memref<128xf32, #tpu.memory_space<vmem>>, vector<16xf32>,
      %broadcast_in_dim3A_47 = arith.constant 0.000000e+00 : f32
      %broadcast_in_dim3A_48 = vector.broadcast %broadcast_in_dim3A_47 : f32 to vector<16xf32>
      %swap3A_49 = arith.constant 112 : index
      %swap3A_50 = tpu.vector_load %arg7[%swap3A_49] {strides = array<i32>} : memref<128xf32, #tpu.memory_space<vmem>>, vector<16xf32>,
      %swap3A_51 = vector.shape_cast %swap3A_50 : vector<16xf32> to vector<16xf32>
      %swap3A_52 = vector.shape_cast %broadcast_in_dim3A_48 : vector<16xf32> to vector<16xf32>
      tpu.vector_store %arg7[%swap3A_49], %swap3A_52 {strides = array<i32>} : memref<128xf32, #tpu.memory_space<vmem>>, vector<16xf32>,
    } else {
    }
    "tpu.region"() ({
      %run_scoped3A = tpu.sem_alloc : memref<!tpu.dma_semaphore, #tpu.memory_space<semaphore_mem>>
      %dma_start3A = arith.constant 0 : i32
      %dma_start3A_7 = tpu.memref_slice %arg4[%add3A, %dma_start3A] : memref<32x128xf32, #tpu.memory_space<hbm>> -> memref<1x128xf32, #tpu.memory_space<hbm>>
      %dma_start3A_8 = tpu.memref_squeeze %dma_start3A_7 : memref<1x128xf32, #tpu.memory_space<hbm>> -> memref<128xf32, #tpu.memory_space<hbm>>
      %dma_start3A_9 = arith.constant 0 : i32
      %dma_start3A_10 = tpu.memref_slice %arg4[%add3A, %dma_start3A_9] : memref<32x128xf32, #tpu.memory_space<hbm>> -> memref<1x128xf32, #tpu.memory_space<hbm>>
      %dma_start3A_11 = tpu.memref_squeeze %dma_start3A_10 : memref<1x128xf32, #tpu.memory_space<hbm>> -> memref<128xf32, #tpu.memory_space<hbm>>
      tpu.enqueue_dma source(%arg7 : memref<128xf32, #tpu.memory_space<vmem>>) target(%dma_start3A_11 : memref<128xf32, #tpu.memory_space<hbm>>) target_semaphore(%run_scoped3A : memref<!tpu.dma_semaphore, #tpu.memory_space<semaphore_mem>>)
      %dma_wait3A = arith.constant 0 : i32
      %dma_wait3A_12 = tpu.memref_slice %arg4[%add3A, %dma_wait3A] : memref<32x128xf32, #tpu.memory_space<hbm>> -> memref<1x128xf32, #tpu.memory_space<hbm>>
      %dma_wait3A_13 = tpu.memref_squeeze %dma_wait3A_12 : memref<1x128xf32, #tpu.memory_space<hbm>> -> memref<128xf32, #tpu.memory_space<hbm>>
      %dma_wait3A_14 = arith.constant 0 : i32
      %dma_wait3A_15 = tpu.memref_slice %arg4[%add3A, %dma_wait3A_14] : memref<32x128xf32, #tpu.memory_space<hbm>> -> memref<1x128xf32, #tpu.memory_space<hbm>>
      %dma_wait3A_16 = tpu.memref_squeeze %dma_wait3A_15 : memref<1x128xf32, #tpu.memory_space<hbm>> -> memref<128xf32, #tpu.memory_space<hbm>>
      tpu.wait_dma2 semaphore(%run_scoped3A : memref<!tpu.dma_semaphore, #tpu.memory_space<semaphore_mem>>) src(%arg7 : memref<128xf32, #tpu.memory_space<vmem>>) dst(%dma_wait3A_16 : memref<128xf32, #tpu.memory_space<hbm>>)
      tpu.yield
    }) : () -> ()
    return
  }
}

module attributes {stable_mosaic.version = 14 : i64} {
  func.func @_tc_kernel(%arg0: i32, %arg1: memref<32x128xf32, #tpu.memory_space<vmem>>, %arg2: memref<12544x128xf32, #tpu.memory_space<vmem>>, %arg3: memref<12544x128xf32, #tpu.memory_space<vmem>>, %arg4: memref<1x12544xf32, #tpu.memory_space<vmem>>, %arg5: memref<1x12544xf32, #tpu.memory_space<vmem>>, %arg6: memref<1x100352xf32, #tpu.memory_space<vmem>>, %arg7: memref<1xf32, #tpu.memory_space<smem>>) attributes {dimension_semantics = [#tpu.dimension_semantics<arbitrary>], iteration_bounds = array<i64: 4>, scalar_prefetch = 0 : i64, scratch_operands = 1 : i64, tpu.core_type = #tpu.core_type<tc>, window_params = [{pipeline_mode = #tpu.pipeline_mode<synchronous>, transform_indices = @transform_0, window_bounds = array<i64: 32, 128>}, {transform_indices = @transform_1, window_bounds = array<i64: 12544, 128>}, {transform_indices = @transform_2, window_bounds = array<i64: 12544, 128>}, {transform_indices = @transform_3, window_bounds = array<i64: 1, 12544>}, {transform_indices = @transform_4, window_bounds = array<i64: 1, 12544>}, {transform_indices = @transform_5, window_bounds = array<i64: 1, 100352>}]} {
    %get3A = arith.constant 0 : index
    %get3A_0 = arith.constant 0 : index
    %get3A_1 = vector.load %arg1[%get3A, %get3A_0] : memref<32x128xf32, #tpu.memory_space<vmem>>, vector<32x128xf32>
    %reduce_sum3A = arith.constant dense<0.000000e+00> : vector<128xf32>
    %reduce_sum3A_2 = vector.multi_reduction <add>, %get3A_1, %reduce_sum3A [0] : vector<32x128xf32> to vector<128xf32>
    %broadcast_in_dim3A = vector.shape_cast %reduce_sum3A_2 : vector<128xf32> to vector<1x128xf32>
    %mul3A = arith.constant 5.000000e-03 : f32
    %mul3A_3 = vector.broadcast %mul3A : f32 to vector<1x128xf32>
    %mul3A_4 = arith.mulf %broadcast_in_dim3A, %mul3A_3 : vector<1x128xf32>
    %convert_element_type3A = arith.truncf %mul3A_4 : vector<1x128xf32> to vector<1x128xbf16>
    %eq3A = arith.constant 0 : i32
    %eq3A_5 = arith.cmpi eq, %arg0, %eq3A : i32
    %get3A_6 = arith.constant 0 : index
    %get3A_7 = memref.load %arg7[%get3A_6] : memref<1xf32, #tpu.memory_space<smem>>
    %jit3A = arith.constant -1.000000e+30 : f32
    %select_n3A = arith.select %eq3A_5, %jit3A, %get3A_7 : f32
    %add3A = arith.constant 4 : i32
    %add3A_8 = arith.addi %add3A, %arg0 : i32
    %get3A_9 = arith.constant 0 : index
    %get3A_10 = arith.constant 0 : index
    %get3A_11 = vector.load %arg2[%get3A_9, %get3A_10] : memref<12544x128xf32, #tpu.memory_space<vmem>>, vector<12544x128xf32>
    %convert_element_type3A_12 = arith.truncf %get3A_11 : vector<12544x128xf32> to vector<12544x128xbf16>
    %dot_general3A = arith.constant dense<0.000000e+00> : vector<1x12544xf32>
    %dot_general3A_13 = tpu.matmul %convert_element_type3A, %convert_element_type3A_12, %dot_general3A {dimension_numbers = #tpu.dot_dimension_numbers<[1], [1], [0], [0], [0, 0, 1, 0], [], []>, transpose_lhs_hint = false} : vector<1x128xbf16>, vector<12544x128xbf16>, vector<1x12544xf32> -> vector<1x12544xf32>
    %get3A_14 = arith.constant 0 : index
    %get3A_15 = arith.constant 0 : index
    %get3A_16 = vector.load %arg4[%get3A_14, %get3A_15] : memref<1x12544xf32, #tpu.memory_space<vmem>>, vector<1x12544xf32>
    %add3A_17 = arith.addf %dot_general3A_13, %get3A_16 : vector<1x12544xf32>
    %mul3A_18 = arith.constant 12544 : i32
    %mul3A_19 = arith.muli %arg0, %mul3A_18 : i32
    %iota3A = tpu.iota {dimensions = array<i32: 1>} : vector<1x12544xi32>
    %add3A_20 = vector.broadcast %mul3A_19 : i32 to vector<1x12544xi32>
    %add3A_21 = arith.addi %add3A_20, %iota3A : vector<1x12544xi32>
    %lt3A = arith.constant 100000 : i32
    %lt3A_22 = vector.broadcast %lt3A : i32 to vector<1x12544xi32>
    %lt3A_23 = arith.cmpi slt, %add3A_21, %lt3A_22 : vector<1x12544xi32>
    %jit3A_24 = arith.constant -1.000000e+30 : f32
    %broadcast_in_dim3A_25 = vector.broadcast %jit3A_24 : f32 to vector<1x12544xf32>
    %select_n3A_26 = arith.select %lt3A_23, %add3A_17, %broadcast_in_dim3A_25 : vector<1x12544xi1>, vector<1x12544xf32>
    %squeeze3A = vector.shape_cast %select_n3A_26 : vector<1x12544xf32> to vector<12544xf32>
    %mul3A_27 = arith.constant 12544 : i32
    %mul3A_28 = arith.muli %arg0, %mul3A_27 : i32
    %swap3A = arith.constant 0 : index
    %swap3A_29 = arith.index_cast %mul3A_28 : i32 to index
    %swap3A_30 = vector.load %arg6[%swap3A, %swap3A_29] : memref<1x100352xf32, #tpu.memory_space<vmem>>, vector<1x12544xf32>
    %swap3A_31 = vector.shape_cast %swap3A_30 : vector<1x12544xf32> to vector<12544xf32>
    %swap3A_32 = vector.shape_cast %squeeze3A : vector<12544xf32> to vector<1x12544xf32>
    tpu.vector_store %arg6[%swap3A, %swap3A_29], %swap3A_32 {strides = array<i32>} : memref<1x100352xf32, #tpu.memory_space<vmem>>, vector<1x12544xf32>,
    %reduce_max3A = vector.shape_cast %select_n3A_26 : vector<1x12544xf32> to vector<1x1x12544xf32>
    %reduce_max3A_33 = arith.constant dense<0xFF800000> : vector<1xf32>
    %reduce_max3A_34 = vector.multi_reduction <maximumf>, %reduce_max3A, %reduce_max3A_33 [1, 2] : vector<1x1x12544xf32> to vector<1xf32>
    %reduce_max3A_35 = vector.shape_cast %reduce_max3A_34 : vector<1xf32> to vector<1x1x1xf32>
    %reduce_max3A_36 = vector.extract %reduce_max3A_35[0, 0, 0] : f32 from vector<1x1x1xf32>
    %max3A = arith.maximumf %select_n3A, %reduce_max3A_36 : f32
    %get3A_37 = arith.constant 0 : index
    %get3A_38 = arith.constant 0 : index
    %get3A_39 = vector.load %arg3[%get3A_37, %get3A_38] : memref<12544x128xf32, #tpu.memory_space<vmem>>, vector<12544x128xf32>
    %convert_element_type3A_40 = arith.truncf %get3A_39 : vector<12544x128xf32> to vector<12544x128xbf16>
    %dot_general3A_41 = arith.constant dense<0.000000e+00> : vector<1x12544xf32>
    %dot_general3A_42 = tpu.matmul %convert_element_type3A, %convert_element_type3A_40, %dot_general3A_41 {dimension_numbers = #tpu.dot_dimension_numbers<[1], [1], [0], [0], [0, 0, 1, 0], [], []>, transpose_lhs_hint = false} : vector<1x128xbf16>, vector<12544x128xbf16>, vector<1x12544xf32> -> vector<1x12544xf32>
    %get3A_43 = arith.constant 0 : index
    %get3A_44 = arith.constant 0 : index
    %get3A_45 = vector.load %arg5[%get3A_43, %get3A_44] : memref<1x12544xf32, #tpu.memory_space<vmem>>, vector<1x12544xf32>
    %add3A_46 = arith.addf %dot_general3A_42, %get3A_45 : vector<1x12544xf32>
    %mul3A_47 = arith.constant 12544 : i32
    %mul3A_48 = arith.muli %add3A_8, %mul3A_47 : i32
    %iota3A_49 = tpu.iota {dimensions = array<i32: 1>} : vector<1x12544xi32>
    %add3A_50 = vector.broadcast %mul3A_48 : i32 to vector<1x12544xi32>
    %add3A_51 = arith.addi %add3A_50, %iota3A_49 : vector<1x12544xi32>
    %lt3A_52 = arith.constant 100000 : i32
    %lt3A_53 = vector.broadcast %lt3A_52 : i32 to vector<1x12544xi32>
    %lt3A_54 = arith.cmpi slt, %add3A_51, %lt3A_53 : vector<1x12544xi32>
    %jit3A_55 = arith.constant -1.000000e+30 : f32
    %broadcast_in_dim3A_56 = vector.broadcast %jit3A_55 : f32 to vector<1x12544xf32>
    %select_n3A_57 = arith.select %lt3A_54, %add3A_46, %broadcast_in_dim3A_56 : vector<1x12544xi1>, vector<1x12544xf32>
    %squeeze3A_58 = vector.shape_cast %select_n3A_57 : vector<1x12544xf32> to vector<12544xf32>
    %mul3A_59 = arith.constant 12544 : i32
    %mul3A_60 = arith.muli %add3A_8, %mul3A_59 : i32
    %swap3A_61 = arith.constant 0 : index
    %swap3A_62 = arith.index_cast %mul3A_60 : i32 to index
    %swap3A_63 = vector.load %arg6[%swap3A_61, %swap3A_62] : memref<1x100352xf32, #tpu.memory_space<vmem>>, vector<1x12544xf32>
    %swap3A_64 = vector.shape_cast %swap3A_63 : vector<1x12544xf32> to vector<12544xf32>
    %swap3A_65 = vector.shape_cast %squeeze3A_58 : vector<12544xf32> to vector<1x12544xf32>
    tpu.vector_store %arg6[%swap3A_61, %swap3A_62], %swap3A_65 {strides = array<i32>} : memref<1x100352xf32, #tpu.memory_space<vmem>>, vector<1x12544xf32>,
    %reduce_max3A_66 = vector.shape_cast %select_n3A_57 : vector<1x12544xf32> to vector<1x1x12544xf32>
    %reduce_max3A_67 = arith.constant dense<0xFF800000> : vector<1xf32>
    %reduce_max3A_68 = vector.multi_reduction <maximumf>, %reduce_max3A_66, %reduce_max3A_67 [1, 2] : vector<1x1x12544xf32> to vector<1xf32>
    %reduce_max3A_69 = vector.shape_cast %reduce_max3A_68 : vector<1xf32> to vector<1x1x1xf32>
    %reduce_max3A_70 = vector.extract %reduce_max3A_69[0, 0, 0] : f32 from vector<1x1x1xf32>
    %max3A_71 = arith.maximumf %max3A, %reduce_max3A_70 : f32
    %swap3A_72 = arith.constant 0 : index
    %swap3A_73 = memref.load %arg7[%swap3A_72] : memref<1xf32, #tpu.memory_space<smem>>
    memref.store %max3A_71, %arg7[%swap3A_72] : memref<1xf32, #tpu.memory_space<smem>>
    %eq3A_74 = arith.constant 3 : i32
    %eq3A_75 = arith.cmpi eq, %arg0, %eq3A_74 : i32
    %convert_element_type3A_76 = arith.extui %eq3A_75 : i1 to i32
    %cond3A = arith.constant 0 : i32
    %cond3A_77 = arith.cmpi ne, %convert_element_type3A_76, %cond3A : i32
    scf.if %cond3A_77 {
      %get3A_78 = arith.constant 0 : index
      %get3A_79 = memref.load %arg7[%get3A_78] : memref<1xf32, #tpu.memory_space<smem>>
      %get3A_80 = arith.constant 0 : index
      %get3A_81 = arith.constant 0 : index
      %get3A_82 = vector.load %arg6[%get3A_80, %get3A_81] : memref<1x100352xf32, #tpu.memory_space<vmem>>, vector<1x100352xf32>
      %sub3A = vector.broadcast %get3A_79 : f32 to vector<1x100352xf32>
      %sub3A_83 = arith.subf %get3A_82, %sub3A : vector<1x100352xf32>
      %exp3A = math.exp %sub3A_83 : vector<1x100352xf32>
      %reduce_sum3A_84 = vector.shape_cast %exp3A : vector<1x100352xf32> to vector<1x1x100352xf32>
      %reduce_sum3A_85 = arith.constant dense<0.000000e+00> : vector<1xf32>
      %reduce_sum3A_86 = vector.multi_reduction <add>, %reduce_sum3A_84, %reduce_sum3A_85 [1, 2] : vector<1x1x100352xf32> to vector<1xf32>
      %reduce_sum3A_87 = vector.shape_cast %reduce_sum3A_86 : vector<1xf32> to vector<1x1x1xf32>
      %reduce_sum3A_88 = vector.extract %reduce_sum3A_87[0, 0, 0] : f32 from vector<1x1x1xf32>
      %sub3A_89 = vector.broadcast %get3A_79 : f32 to vector<1x100352xf32>
      %sub3A_90 = arith.subf %get3A_82, %sub3A_89 : vector<1x100352xf32>
      %broadcast_in_dim3A_91 = vector.broadcast %reduce_sum3A_88 : f32 to vector<1x100352xf32>
      %log3A = math.log %broadcast_in_dim3A_91 : vector<1x100352xf32>
      %sub3A_92 = arith.subf %sub3A_90, %log3A : vector<1x100352xf32>
      %swap3A_93 = arith.constant 0 : index
      %swap3A_94 = arith.constant 0 : index
      %swap3A_95 = vector.load %arg6[%swap3A_93, %swap3A_94] : memref<1x100352xf32, #tpu.memory_space<vmem>>, vector<1x100352xf32>
      tpu.vector_store %arg6[%swap3A_93, %swap3A_94], %sub3A_92 {strides = array<i32>} : memref<1x100352xf32, #tpu.memory_space<vmem>>, vector<1x100352xf32>,
    } else {
    }
    return
  }
  func.func @transform_0(%arg0: i32) -> (i32, i32) {
    %c0_i32 = arith.constant 0 : i32
    %c0_i32_0 = arith.constant 0 : i32
    %c0_i32_1 = arith.constant 0 : i32
    return %c0_i32, %c0_i32_0 : i32, i32
  }
  func.func @transform_1(%arg0: i32) -> (i32, i32) {
    %c0_i32 = arith.constant 0 : i32
    %c0_i32_0 = arith.constant 0 : i32
    return %arg0, %c0_i32 : i32, i32
  }
  func.func @transform_2(%arg0: i32) -> (i32, i32) {
    %add3A = arith.constant 4 : i32
    %add3A_0 = arith.addi %add3A, %arg0 : i32
    %c0_i32 = arith.constant 0 : i32
    %c0_i32_1 = arith.constant 0 : i32
    return %add3A_0, %c0_i32 : i32, i32
  }
  func.func @transform_3(%arg0: i32) -> (i32, i32) {
    %c0_i32 = arith.constant 0 : i32
    %c0_i32_0 = arith.constant 0 : i32
    return %c0_i32, %arg0 : i32, i32
  }
  func.func @transform_4(%arg0: i32) -> (i32, i32) {
    %add3A = arith.constant 4 : i32
    %add3A_0 = arith.addi %add3A, %arg0 : i32
    %c0_i32 = arith.constant 0 : i32
    %c0_i32_1 = arith.constant 0 : i32
    return %c0_i32, %add3A_0 : i32, i32
  }
  func.func @transform_5(%arg0: i32) -> (i32, i32) {
    %c0_i32 = arith.constant 0 : i32
    %c0_i32_0 = arith.constant 0 : i32
    %c0_i32_1 = arith.constant 0 : i32
    return %c0_i32, %c0_i32_0 : i32, i32
  }
}

</mosaic_0001>

<sc_bundles>
// kernel: kernel.4.cloned.1.call-start
scs
__scs_entry_jumppad:
0x0: {  	(pc) =	sbr.rel $0x88, $3  }
0x1: {  	(tag) =	ssettag $0x0;
	lr =	simm.s32 $0x1  }
0x2: {  	[smem:$0x3F9D] =	sst lr;
	_ =	strace $0xD0000000  }
0x3: {  	_ = 	snop  }
0x4: {  	_ = 	snop  }
0x5: {  	_ = 	snop  }
0x6: {  	_ = 	snop  }
0x7: {  	_ = 	snop  }
__scs_overlays_trampoline_lowered:
0x8: {  	[smem:$0x3FAC] =	sst s0  }
0x9: {  	[smem:$0x3FAD] =	sst s1  }
0xa: {  	[smem:$0x3FAE] =	sst s2  }
0xb: {  	[smem:$0x3FAF] =	sst s3  }
0xc: {  	[smem:$0x3FB0] =	sst s4  }
0xd: {  	[smem:$0x3FB1] =	sst s5  }
0xe: {  	[smem:$0x3FB2] =	sst s6  }
0xf: {  	[smem:$0x3FB3] =	sst s7  }
0x10: {  	[smem:$0x3FB4] =	sst s8  }
0x11: {  	[smem:$0x3FB5] =	sst s9;
	s0 =	simm.s32 @!p0 $0x0  }
0x12: {  	s1 =	sld [smem:$0x3F9B];
	s0 =	simm.s32 @p0 $0x1  }
0x13: {  	[smem:$0x3FB6] =	sst s0;
	s0 =	simm.s32 @!p1 $0x0  }
0x14: {  	s2 =	sld [smem:$0x3F9A];
	s0 =	simm.s32 @p1 $0x1  }
0x15: {  	[smem:$0x3FB7] =	sst s0;
	s0 =	simm.s32 @!p2 $0x0  }
0x16: {  	s3 =	sld [smem:$0x3FDB];
	s0 =	simm.s32 @p2 $0x1  }
0x17: {  	s4 =	simm.s32 $0x1BF5;
	[smem:$0x3FB9] =	sst s0  }
0x18: {  	s0 =	sld [smem:$0x3F9C];
	_ =	swait.ge [sflag:s4], $0x0  }
0x19: {  	s7 =	sld [smem:$0x3F9D]  }
0x1a: {  	s8 =	sadd.s32 $0xFFFFE003, lr  }
0x1b: {  	s9 =	sadd.s32 $0xFFFFFEF7, lr;
	s5 =	simm.s32 $0xFFFFFFFF;
	p2 =	slt.u32 s8, $0xFFFFF086  }
0x1c: {  	p1 =	slt.u32 s9, $0xF7A;
	s5 =	simm.s32 @!p2 $0x0  }
0x1d: {  	s5 =	simm.s32 @p1 $0x1;
	p0 =	seq.s32 s7, s2  }
0x1e: {  	s7 =	smul.u32 @!p0 $0xF7A, s2;
	p2 =	seq.s32 @!p0 s5, $0x0  }
0x1f: {  	s9 =	smul.u32 $0xF7A, s1;
	s8 =	simm.s32 @!p0 $0x1BF5;
	p2 =	por !p2, p0  }
0x20: {  	[sflag:s8] =	ssyncset.s32 @!p0 $0xFFFFF086;
	s6 =	sadd.s32 @!p0 s3, s7;
	s7 =	simm.s32 @!p0 $0x108  }
0x21: {  	s3 =	sadd.s32 s3, s9;
	s6 =	sadd.s32 @!p0 $0x88, s6;
	s7 =	simm.s32 @p2 $0x1082  }
0x22: {  	[simem:s7], [sflag:s8] =	dma.local @!p0 [hbm:s6], $0xF7A  }
0x23: {  	s9 =	sor.u32 $0xD0000000, s2;
	s6 =	simm.s32 $0x108;
	_ =	swait.ge @!p0 [sflag:s8], $0x0  }
0x24: {  	s3 =	sadd.s32 $0x88, s3;
	s6 =	simm.s32 @!p1 $0x1082;
	[sflag:s4] =	ssyncset.s32 $0xFFFFF086  }
0x25: {  	[simem:s6], [sflag:s4] =	dma.local [hbm:s3], $0xF7A  }
0x26: {  	[smem:$0x3F9D] =	sst s1;
	(tag) =	ssettag s2;
	_ =	strace s9  }
0x27: {  	s1 =	sld [smem:$0x3FAD]  }
0x28: {  	s2 =	sld [smem:$0x3FAE]  }
0x29: {  	s4 =	sld [smem:$0x3FB0]  }
0x2a: {  	p0 =	seq.s32 s5, $0x0;
	s5 =	sld [smem:$0x3FB1]  }
0x2b: {  	s6 =	sld [smem:$0x3FB2]  }
0x2c: {  	s7 =	sld [smem:$0x3FB3]  }
0x2d: {  	s3 =	simm.s32 $0x108;
	s8 =	sld [smem:$0x3FB4]  }
0x2e: {  	s3 =	simm.s32 @!p0 $0x1082;
	s9 =	sld [smem:$0x3FB5]  }
0x2f: {  	lr =	sadd.s32 s0, s3;
	s0 =	sld [smem:$0x3FAC]  }
0x30: {  	s3 =	sld [smem:$0x3FAF]  }
0x31: {  	[smem:$0x3FB8] =	sst s10  }
0x32: {  	s10 =	sld [smem:$0x3FB6];
	_ =	sdelay $0x3  }
0x33: {  	p0 =	seq.s32 s10, $0x1;
	s10 =	sld [smem:$0x3FB8];
	_ =	sdelay $0x3  }
0x34: {  	[smem:$0x3FB8] =	sst s10  }
0x35: {  	s10 =	sld [smem:$0x3FB7];
	_ =	sdelay $0x3  }
0x36: {  	p1 =	seq.s32 s10, $0x1;
	s10 =	sld [smem:$0x3FB8];
	_ =	sdelay $0x3  }
0x37: {  	[smem:$0x3FB8] =	sst s10  }
0x38: {  	s10 =	sld [smem:$0x3FB9]  }
0x39: {  	_ = 	snop;
	(pc) =	sbr.ind lr, $3  }
0x3a: {  	_ = 	snop  }
0x3b: {  	_ = 	snop  }
0x3c: {  	p2 =	seq.s32 s10, $0x1;
	s10 =	sld [smem:$0x3FB8]  }
0x3d: {  	_ =	shalt  }
0x3e: {  	_ =	shalt  }
0x3f: {  	_ =	shalt  }
0x40: {  	_ =	shalt  }
0x41: {  	_ =	shalt  }
0x42: {  	_ =	shalt  }
0x43: {  	_ =	shalt  }
0x44: {  	_ =	shalt  }
0x45: {  	_ =	shalt  }
0x46: {  	_ =	shalt  }
0x47: {  	_ =	shalt  }
0x48: {  	_ =	shalt  }
0x49: {  	_ =	shalt  }
0x4a: {  	_ =	shalt  }
0x4b: {  	_ =	shalt  }
0x4c: {  	_ =	shalt  }
0x4d: {  	_ =	shalt  }
0x4e: {  	_ =	shalt  }
0x4f: {  	_ =	shalt  }
0x50: {  	_ =	shalt  }
0x51: {  	_ =	shalt  }
0x52: {  	_ =	shalt  }
0x53: {  	_ =	shalt  }
0x54: {  	_ =	shalt  }
0x55: {  	_ =	shalt  }
0x56: {  	_ =	shalt  }
0x57: {  	_ =	shalt  }
0x58: {  	_ =	shalt  }
0x59: {  	_ =	shalt  }
0x5a: {  	_ =	shalt  }
0x5b: {  	_ =	shalt  }
0x5c: {  	_ =	shalt  }
0x5d: {  	_ =	shalt  }
0x5e: {  	_ =	shalt  }
0x5f: {  	_ =	shalt  }
0x60: {  	_ =	shalt  }
0x61: {  	_ =	shalt  }
0x62: {  	_ =	shalt  }
0x63: {  	_ =	shalt  }
0x64: {  	_ =	shalt  }
0x65: {  	_ =	shalt  }
0x66: {  	_ =	shalt  }
0x67: {  	_ =	shalt  }
0x68: {  	_ =	shalt  }
0x69: {  	_ =	shalt  }
0x6a: {  	_ =	shalt  }
0x6b: {  	_ =	shalt  }
0x6c: {  	_ =	shalt  }
0x6d: {  	_ =	shalt  }
0x6e: {  	_ =	shalt  }
0x6f: {  	_ =	shalt  }
0x70: {  	_ =	shalt  }
0x71: {  	_ =	shalt  }
0x72: {  	_ =	shalt  }
0x73: {  	_ =	shalt  }
0x74: {  	_ =	shalt  }
0x75: {  	_ =	shalt  }
0x76: {  	_ =	shalt  }
0x77: {  	_ =	shalt  }
0x78: {  	_ =	shalt  }
0x79: {  	_ =	shalt  }
0x7a: {  	_ =	shalt  }
0x7b: {  	_ =	shalt  }
0x7c: {  	_ =	shalt  }
0x7d: {  	_ =	shalt  }
0x7e: {  	_ =	shalt  }
0x7f: {  	_ =	shalt  }
0x80: {  	_ =	shalt  }
0x81: {  	_ =	shalt  }
0x82: {  	_ =	shalt  }
0x83: {  	_ =	shalt  }
0x84: {  	_ =	shalt  }
0x85: {  	_ =	shalt  }
0x86: {  	_ =	shalt  }
0x87: {  	_ =	shalt  }
.Lfunc_end0:
.L_simem_size_0:
called_computation_lowered:
.L_overlay_start_0:
0x88: {  	s2 =	sld [smem:$0x3FD9]  }
0x89: {  	s3 =	sld [smem:$0x3FFE];
	_ =	sdelay $0x1  }
0x8a: {  	s1 =	srdreg.scid  }
0x8b: {  	s0 =	sand.u32 $0x1, s1  }
0x8c: {  	s18 =	sshll.u32 s0, $0xA;
	s2 =	sadd.s32 s3, s2  }
0x8d: {  	s2 =	sadd.s32 s2, s18  }
0x8e: {  	[smem:$0x3FC4] =	sst s2  }
0x8f: {  	_ = 	snop  }
0x90: {  	s2 =	sld [smem:$0x3FC9]  }
0x91: {  	s19 =	sld [smem:$0x3FC8]  }
0x92: {  	s4 =	sld [smem:$0x3FD0];
	(tm) =	ssettm $0x1  }
0x93: {  	s5 =	sld [smem:$0x3FFB];
	_ =	sdelay $0x3  }
0x94: {  	_ =	strace s5  }
0x95: {  	s5 =	sld [smem:$0x3FFC];
	_ =	sdelay $0x3  }
0x96: {  	_ =	strace s5  }
0x97: {  	s5 =	sld [smem:$0x3FFD];
	_ =	sdelay $0x3  }
0x98: {  	_ =	strace s5  }
0x99: {  	_ =	strace $0x8FFFFFFF  }
0x9a: {  	s20 =	sld [smem:$0x3FDB];
	_ =	sdelay $0x1  }
0x9b: {  	s6 =	simm.s32 $_scs_section_size  }
0x9c: {  	s7 =	simm.s32 $_size__tile_overlayer_lowered;
	s8 =	simm.s32 $_tile_overlayer_lowered  }
0x9d: {  	s23 =	simm.s32 $0x1BFF;
	s22 =	sshll.u32 s8, $0x1;
	s5 =	sadd.s32 s6, s20  }
0x9e: {  	s9 =	simm.s32 $0x0;
	s21 =	sshll.u32 s7, $0x1;
	s7 =	sadd.s32 s22, s5  }
0x9f: {  	[timem:s9], [sflag:s23] =	dma.local [hbm:s7], s21  }
0xa0: {  	_ =	swait.ge [sflag:s23], s21  }
0xa1: {  	s6 =	ssub.s32 $0x0, s21;
	[sflag:s23] =	ssyncset.done $0x0  }
0xa2: {  	[sflag:s23] =	ssyncadd.s32 s6;
	_ =	sdelay $0x1  }
0xa3: {  	s24 =	simm.s32 $0x1B8B  }
0xa4: {  	_ =	swait.ge [sflag:s24], $0x1  }
0xa5: {  	[sflag:s24] =	ssyncset.done $0x0  }
0xa6: {  	s25 =	simm.s32 $0x1B8E;
	[sflag:s24] =	ssyncadd.s32 $0xFFFFFFFF  }
0xa7: {  	s26 =	simm.s32 $execute0_lowered;
	[smem:$0x3FD2] =	sst s25  }
0xa8: {  	s6 =	sshll.u32 s26, $0x1;
	_ =	strace $0x80000046;
	[dreg:$0x1] =	wrdreg $0xFFFFFFFF  }
0xa9: {  	s28 =	simm.s32 $_size_execute0_lowered;
	s5 =	sadd.s32 s5, s6;
	[dreg:$0x0] =	wrdreg $0x0  }
0xaa: {  	s6 =	sshll.u32 s28, $0x1;
	[dreg:$0x2] =	wrdreg s5  }
0xab: {  	[dreg:$0x3] =	wrdreg s6  }
0xac: {  	[dreg:$0x4] =	wrdreg $0xC0  }
0xad: {  	_ =	task [dreg:s9], $0x5FFFF  }
0xae: {  	[dreg:$0x1] =	wrdreg $0xFFFFFFFF  }
0xaf: {  	[dreg:$0x0] =	wrdreg $0x60  }
0xb0: {  	[dreg:$0x2] =	wrdreg s2  }
0xb1: {  	[dreg:$0x3] =	wrdreg s19  }
0xb2: {  	[dreg:$0x4] =	wrdreg s4  }
0xb3: {  	[dreg:$0x5] =	wrdreg $0x9  }
0xb4: {  	_ =	task.clear_ibuf [dreg:s9], $0x6FFFF;
	_ =	strace $0x90000046  }
0xb5: {  	s29 =	simm.s32 $0x9;
	_ =	strace $0x80000048  }
0xb6: {  	_ =	swait.ge [sflag:s29], $0x1  }
0xb7: {  	[sflag:s29] =	ssyncadd.s32 $0xFFFFFFFF  }
0xb8: {  	_ =	strace $0x90000048  }
0xb9: {  	_ =	sfence  }
0xba: {  	s30 =	sld [smem:$0x0];
	_ =	sdelay $0x2  }
0xbb: {  	s31 =	sshll.u32 s1, $0xD;
	s1 =	sshrl.u32 s1, $0x2  }
0xbc: {  	s3 =	sand.u32 $0x4000, s31;
	s1 =	sadd.s32 s1, s30  }
0xbd: {  	s0 =	sor.u32 s3, s0;
	s1 =	sshll.u32 s1, $0x11  }
0xbe: {  	s0 =	sor.u32 s1, s0  }
0xbf: {  	s0 =	sadd.s32 $0x8F2B, s0  }
0xc0: {  	[sflag:s0] =	ssyncadd.remote.s32 $0x1  }
0xc1: {  	_ =	sfence.sel $0xFFFF  }
0xc2: {  	[dreg:$0x0] =	wrdreg $0xFFFFFFFF;
	(pc) =	sbr.abs _section_cstart, $3  }
0xc3: {  	[dreg:$0x1] =	wrdreg $0xFFFFFFFF  }
0xc4: {  	_ =	task.clear_ibuf [dreg:s9], $0x2FFFF;
	_ =	strace $0x9FFFFFFF  }
0xc5: {  	(tm) =	ssettm $0x7FFFFFFF  }
tec
execute0_lowered:
.L_overlay_start_1:
0x0: {  	(tag) =	ssettag $0x1  }
0x1: {  	s4 =	rddreg [dreg:$0x0]  }
0x2: {  	s2 =	rddreg [dreg:$0x1]  }
0x3: {  	s5 =	rddreg [dreg:$0x2]  }
0x4: {  	s3 =	srdreg.scid;
	s0 =	rddreg [dreg:$0x3]  }
0x5: {  	s1 =	stileid.u32;
	s10 =	simm.s32 $0x1;
	s11 =	simm.s32 $0x480  }
0x6: {  	s6 =	sand.u32 $0x1, s3;
	s3 =	simm.s32 $0x0;
	s8 =	sshll.u32 s1, $0x1  }
.Ltmp0:
0x7: {  	s7 =	ssub.s32 $0x2, s6;
	[smem:$0x7FF] =	sst s3;
	(pc) =	sbr.rel .LBB2_1-.Ltmp0, $4  }
0x8: {  	s8 =	sor.u32 s6, s8;
	s9 =	sshrl.u32 s7, $0x1;
	_ =	strace $0x80000047  }
0x9: {  	s31 =	sshll.u32 s8, $0x4;
	s4 =	sadd.s32 s4, s8;
	p0 =	sgt.u32 s8, $0x18  }
0xa: {  	s8 =	simm.s32 $0x8;
	s30 =	ssub.s32 s7, s9;
	s5 =	sadd.s32 s5, s31  }
0xb: {  	s7 =	simm.s32 $0x2;
	s9 =	simm.s32 $0x80;
	s6 =	smax.u32 s30, $0x1  }
.LBB2_3:
0xc: {  	v0 =	vimm.f32 $0.0e+00  }
0xd: {  	[tilespmem:$0x480] =	vst v0  }
0xe: {  	[tilespmem:$0x490] =	vst v0  }
0xf: {  	[tilespmem:$0x4A0] =	vst v0  }
0x10: {  	[tilespmem:$0x4B0] =	vst v0  }
0x11: {  	[tilespmem:$0x4C0] =	vst v0  }
0x12: {  	[tilespmem:$0x4D0] =	vst v0  }
0x13: {  	[tilespmem:$0x4E0] =	vst v0  }
.LBB2_4:
0x14: {  	s6 =	sadd.s32 $0xFFFFFFFF, s6  }
0x15: {  	p1 =	sne.s32 s6, $0x0  }
.Ltmp1:
0x16: {  	[tilespmem:$0x4F0] =	vst v0;
	(pc) =	sbr.rel @!p1 .LBB2_5-.Ltmp1, $4  }
0x17: {  	[hbm4b:s5+s3] =	stream.linear.scatter [tilespmem:s11], [sflag:$0x2], $0x80, $0x38;
	[tilespmem:$0x500] =	vst v63  }
0x18: {  	_ =	swait.ge [sflag:s7], $0x80  }
0x19: {  	[sflag:s7] =	ssyncset.done $0x0  }
0x1a: {  	[sflag:s7] =	ssyncadd.s32 $0xFFFFFF80  }
.LBB2_1:
.Ltmp2:
0x1b: {  	(pc) =	sbr.rel @p0 .LBB2_3-.Ltmp2, $1  }
0x1c: {  	_ =	sdelay $0x3  }
0x1d: {  	[tilespmem:s3], [sflag:$0x2] =	stream.linear.gather [hbm4b:s4+s3], $0x8, $0x38;
	[tilespmem:$0x500] =	vst v63  }
0x1e: {  	_ =	swait.ge [sflag:s7], $0x8  }
0x1f: {  	[sflag:s7] =	ssyncset.done $0x0  }
0x20: {  	[sflag:s7] =	ssyncadd.s32 $0xFFFFFFF8  }
0x21: {  	[tilespmem:s9], [sflag:$0x1] =	stream.indirect.gather [hbm4b:s2+s8], $0x80, s3, s8, $0xb8;
	[tilespmem:$0x500] =	vst v63  }
0x22: {  	_ =	swait.ge [sflag:s10], $0x400  }
0x23: {  	[sflag:s10] =	ssyncset.done $0x0  }
0x24: {  	[sflag:s10] =	ssyncadd.s32 $0xFFFFFC00  }
0x25: {  	v0 =	vld [tilespmem:$0x80]  }
0x26: {  	v1 =	vld [tilespmem:$0x100]  }
0x27: {  	v2 =	vld [tilespmem:$0x180]  }
0x28: {  	v3 =	vld [tilespmem:$0x200]  }
0x29: {  	v4 =	vld [tilespmem:$0x280]  }
0x2a: {  	v5 =	vld [tilespmem:$0x300]  }
0x2b: {  	v6 =	vld [tilespmem:$0x380]  }
0x2c: {  	v7 =	vld [tilespmem:$0x400]  }
0x2d: {  	v8 =	vld [tilespmem:$0x90]  }
0x2e: {  	v9 =	vld [tilespmem:$0x110]  }
0x2f: {  	v10 =	vld [tilespmem:$0x190]  }
0x30: {  	v11 =	vld [tilespmem:$0x210]  }
0x31: {  	v12 =	vld [tilespmem:$0x290]  }
0x32: {  	v13 =	vld [tilespmem:$0x310]  }
0x33: {  	v14 =	vld [tilespmem:$0x390]  }
0x34: {  	v15 =	vld [tilespmem:$0x410]  }
0x35: {  	v16 =	vld [tilespmem:$0xA0]  }
0x36: {  	v17 =	vld [tilespmem:$0x120]  }
0x37: {  	v18 =	vld [tilespmem:$0x1A0]  }
0x38: {  	v19 =	vld [tilespmem:$0x220]  }
0x39: {  	v20 =	vld [tilespmem:$0x2A0]  }
0x3a: {  	v21 =	vld [tilespmem:$0x320]  }
0x3b: {  	v22 =	vld [tilespmem:$0x3A0]  }
0x3c: {  	v23 =	vld [tilespmem:$0x420]  }
0x3d: {  	v24 =	vld [tilespmem:$0xB0]  }
0x3e: {  	v25 =	vld [tilespmem:$0x130]  }
0x3f: {  	v26 =	vld [tilespmem:$0x1B0]  }
0x40: {  	v27 =	vld [tilespmem:$0x230]  }
0x41: {  	v28 =	vld [tilespmem:$0x2B0]  }
0x42: {  	v29 =	vld [tilespmem:$0x330]  }
0x43: {  	v30 =	vld [tilespmem:$0x3B0]  }
0x44: {  	v31 =	vld [tilespmem:$0x430]  }
0x45: {  	v32 =	vld [tilespmem:$0xC0]  }
0x46: {  	v33 =	vld [tilespmem:$0x140]  }
0x47: {  	v34 =	vld [tilespmem:$0x1C0]  }
0x48: {  	v35 =	vld [tilespmem:$0x240]  }
0x49: {  	v49 =	vld [tilespmem:$0xF0]  }
0x4a: {  	v51 =	vld [tilespmem:$0x170]  }
0x4b: {  	v62 =	vld [tilespmem:$0xD0]  }
0x4c: {  	v39 =	vld [tilespmem:$0x150]  }
0x4d: {  	v36 =	vld [tilespmem:$0x2C0];
	v0 =	vadd.f32 v1, v0;
	v63 =	vadd.f32 v17, v16  }
0x4e: {  	v37 =	vld [tilespmem:$0x340];
	v40 =	vadd.f32 v25, v24;
	v50 =	vadd.f32 v33, v32  }
0x4f: {  	v38 =	vld [tilespmem:$0x440];
	v56 =	vadd.f32 v51, v49;
	v0 =	vadd.f32 v2, v0  }
0x50: {  	v41 =	vld [tilespmem:$0x250];
	v2 =	vadd.f32 v9, v8;
	v9 =	vadd.f32 v18, v63  }
0x51: {  	v42 =	vld [tilespmem:$0x2D0];
	v8 =	vadd.f32 v39, v62;
	v0 =	vadd.f32 v3, v0  }
0x52: {  	v2 =	vadd.f32 v10, v2;
	v3 =	vld [tilespmem:$0x1D0];
	v9 =	vadd.f32 v19, v9  }
0x53: {  	v43 =	vld [tilespmem:$0x350];
	v10 =	vadd.f32 v26, v40;
	v0 =	vadd.f32 v4, v0  }
0x54: {  	v46 =	vld [tilespmem:$0xE0];
	v2 =	vadd.f32 v11, v2;
	v9 =	vadd.f32 v20, v9  }
0x55: {  	v47 =	vld [tilespmem:$0x160];
	v10 =	vadd.f32 v27, v10;
	v0 =	vadd.f32 v5, v0  }
0x56: {  	v44 =	vld [tilespmem:$0x3D0];
	v2 =	vadd.f32 v12, v2;
	v9 =	vadd.f32 v21, v9  }
0x57: {  	v45 =	vld [tilespmem:$0x450];
	v10 =	vadd.f32 v28, v10;
	v3 =	vadd.f32 v3, v8  }
0x58: {  	v48 =	vld [tilespmem:$0x1E0];
	v0 =	vadd.f32 v6, v0;
	v2 =	vadd.f32 v13, v2  }
0x59: {  	v52 =	vld [tilespmem:$0x260];
	v9 =	vadd.f32 v22, v9;
	v10 =	vadd.f32 v29, v10  }
0x5a: {  	v53 =	vld [tilespmem:$0x1F0];
	v6 =	vadd.f32 v47, v46;
	v2 =	vadd.f32 v14, v2  }
0x5b: {  	v54 =	vld [tilespmem:$0x2E0];
	v3 =	vadd.f32 v41, v3;
	v0 =	vadd.f32 v7, v0  }
0x5c: {  	v55 =	vld [tilespmem:$0x270];
	v2 =	vadd.f32 v15, v2;
	v15 =	vadd.f32 v34, v50  }
0x5d: {  	v57 =	vld [tilespmem:$0x360];
	v9 =	vadd.f32 v23, v9;
	v10 =	vadd.f32 v30, v10  }
0x5e: {  	v58 =	vld [tilespmem:$0x2F0];
	v6 =	vadd.f32 v48, v6;
	v15 =	vadd.f32 v35, v15  }
0x5f: {  	v1 =	vld [tilespmem:$0x3C0];
	v7 =	vadd.f32 v53, v56;
	v3 =	vadd.f32 v42, v3  }
0x60: {  	v60 =	vld [tilespmem:$0x370];
	v6 =	vadd.f32 v52, v6;
	v15 =	vadd.f32 v36, v15  }
0x61: {  	v59 =	vld [tilespmem:$0x3E0];
	v10 =	vadd.f32 v31, v10;
	v7 =	vadd.f32 v55, v7  }
0x62: {  	v61 =	vld [tilespmem:$0x460];
	v6 =	vadd.f32 v54, v6;
	v15 =	vadd.f32 v37, v15  }
0x63: {  	v62 =	vld [tilespmem:$0x3F0];
	v3 =	vadd.f32 v43, v3;
	v63 =	vadd.f32 v58, v7  }
0x64: {  	[tilespmem:$0x480] =	vst v0;
	v0 =	vadd.f32 v57, v6;
	v1 =	vadd.f32 v1, v15  }
0x65: {  	[tilespmem:$0x490] =	vst v2;
	v2 =	vadd.f32 v44, v3;
	v3 =	vld [tilespmem:$0x470];
	v4 =	vadd.f32 v60, v63  }
.Ltmp3:
0x66: {  	[tilespmem:$0x4A0] =	vst v9;
	v0 =	vadd.f32 v59, v0;
	v1 =	vadd.f32 v38, v1;
	(pc) =	sbr.rel .LBB2_4-.Ltmp3, $4  }
0x67: {  	[tilespmem:$0x4B0] =	vst v10;
	v2 =	vadd.f32 v45, v2  }
0x68: {  	v0 =	vadd.f32 v61, v0;
	[tilespmem:$0x4C0] =	vst v1;
	v1 =	vadd.f32 v62, v4  }
0x69: {  	[tilespmem:$0x4D0] =	vst v2  }
0x6a: {  	[tilespmem:$0x4E0] =	vst v0;
	v0 =	vadd.f32 v3, v1  }
.LBB2_5:
0x6b: {  	_ =	sfence.sel $0x180000  }
0x6c: {  	[bflag:$0x0] =	sbarrier.arrive $0xFFFF  }
0x6d: {  	p0 =	sne.s32 s1, $0x0;
	_ =	strace $0x90000047  }
0x6e: {  	s0 =	sadd.s32 @!p0 $0x100000, s0;
	[bflag:$0x2] =	sbarrier.arrive $0xFFFF  }
0x6f: {  	[sflag:s0] =	ssyncadd.tile.s32 @!p0 $0x1;
	_ =	shalt  }
.Lfunc_end2:
_tile_overlayer_lowered:
.L_overlay_start_2:
0x70: {  	(tag) =	ssettag $0x2  }
0x71: {  	s0 =	rddreg [dreg:$0x0];
	s2 =	stileid.u32  }
0x72: {  	s1 =	rddreg [dreg:$0x1];
	p0 =	sne.s32 s2, $0x0  }
0x73: {  	s3 =	rddreg [dreg:$0x2];
	[bflag:$0x3] =	sbarrier.arrive $0xFFFF;
	s2 =	simm.s32 @!p0 $0x1C02  }
0x74: {  	[timem:s3], [sflag:s2] =	dma.local @!p0 [hbm:s0], s1  }
0x75: {  	s0 =	simm.s32 @!p0 $0x2  }
0x76: {  	_ =	swait.ge @!p0 [sflag:s0], s1  }
0x77: {  	s1 =	ssub.s32 @!p0 $0x0, s1;
	[sflag:s0] =	ssyncset.done @!p0 $0x0  }
0x78: {  	[sflag:s0] =	ssyncadd.s32 @!p0 s1  }
0x79: {  	[bflag:$0x3] =	sbarrier.arrive $0xFFFF  }
0x7a: {  	_ =	shalt  }

</sc_bundles>
